<compile_context>
chip_gen: v7x
topology: tpu7x:2x2x1
jax: 0.10.2.dev20260603
libtpu: 0.0.44.dev20260713+nightly
codegen_flags: <defaults>
</compile_context>

<pallas_src>
import functools

import jax
import jax.numpy as jnp
from jax import lax
from jax.experimental import pallas as pl
from jax.experimental.pallas import tpu as pltpu
from jax.experimental.pallas import tpu_sc as plsc

N_ITEMS = 10000
N_PERSONS = 100000
N_GRADES = 5
N_RESP = 1048576

NC, NS, L = 2, 16, 16
NW = NC * NS
CH = 2048
_HALF = N_PERSONS // 2

_LOG2PI = 1.8378770664093453


def _softplus(x):
    return jnp.maximum(x, 0.0) + jnp.log1p(jnp.exp(-jnp.abs(x)))


def _bf16_bits(x):
    return lax.bitcast_convert_type(
        x.astype(jnp.bfloat16), jnp.uint16).astype(jnp.int32)


def _prep_body(a_ref, bb_ref, d0_ref, d1_ref, d2_ref, t_ref,
               a_out, b0_out, b1_out, b2_out, b3_out, t2_out, prior_out):
    a = _softplus(a_ref[...])
    b0 = bb_ref[...]
    b1 = b0 + _softplus(d0_ref[...])
    b2 = b1 + _softplus(d1_ref[...])
    b3 = b2 + _softplus(d2_ref[...])
    a_out[...] = a
    b0_out[...] = b0
    b1_out[...] = b1
    b2_out[...] = b2
    b3_out[...] = b3
    t = t_ref[...]
    t2_out[...] = _bf16_bits(t[:_HALF]) | (_bf16_bits(t[_HALF:]) << 16)
    n_elem = N_ITEMS + N_ITEMS * (N_GRADES - 1) + N_PERSONS
    sq = (jnp.sum(a * a) + jnp.sum(b0 * b0) + jnp.sum(b1 * b1)
          + jnp.sum(b2 * b2) + jnp.sum(b3 * b3) + jnp.sum(t * t))
    prior_out[0, 0] = -0.5 * _LOG2PI * n_elem - 0.5 * sq


def _prep(a_, b_base_, b_diff_, t):
    vec = jax.ShapeDtypeStruct((N_ITEMS,), jnp.float32)
    return pl.pallas_call(
        _prep_body,
        out_shape=(vec, vec, vec, vec, vec,
                   jax.ShapeDtypeStruct((_HALF,), jnp.int32),
                   jax.ShapeDtypeStruct((1, 1), jnp.float32)),
        out_specs=(pl.BlockSpec(), pl.BlockSpec(), pl.BlockSpec(),
                   pl.BlockSpec(), pl.BlockSpec(), pl.BlockSpec(),
                   pl.BlockSpec(memory_space=pltpu.SMEM)),
    )(a_, b_base_.reshape(N_ITEMS),
      b_diff_[:, 0], b_diff_[:, 1], b_diff_[:, 2], t)


def _make_sc_body(n_resp):
    per_w = n_resp // NW
    n_ch = per_w // CH

    def _sc_body(ir_h, pe_h, a_h, b0_h, b1_h, b2_h, b3_h, t2_h, p_h,
                 a_v, b_v, t2_v, ir0, ir1, pe0, pe1, pb0, pb1,
                 si0, si1, sp0, sp1):
        wid = lax.axis_index("s") * NC + lax.axis_index("c")
        pltpu.sync_copy(a_h, a_v)
        for k, bk in enumerate((b0_h, b1_h, b2_h, b3_h)):
            pltpu.sync_copy(bk, b_v.at[pl.ds(k * N_ITEMS, N_ITEMS)])
        pltpu.sync_copy(t2_h, t2_v)
        base = wid * per_w

        ibufs = ((ir0, pe0), (ir1, pe1))
        pbufs = (pb0, pb1)
        isems = (si0, si1)
        psems = (sp0, sp1)

        def fire_idx(ci, b):
            off = base + lax.rem(ci, n_ch) * CH
            for src, dst in zip((ir_h, pe_h), ibufs[b]):
                pltpu.async_copy(src.at[pl.ds(off, CH)], dst, isems[b])

        fire_idx(jnp.int32(0), 0)
        fire_idx(jnp.int32(1), 1)

        def pair(k, carry):
            for b in range(2):
                ci = 2 * k + b
                (ir_v, pe_v), pb = ibufs[b], pbufs[b]
                for src, dst in zip((ir_h, pe_h), ibufs[b]):
                    pltpu.make_async_copy(
                        src.at[pl.ds(0, CH)], dst, isems[b]).wait()
                @pl.when(k >= 1)
                def _():
                    pltpu.make_async_copy(
                        pb, p_h.at[pl.ds(0, CH)], psems[b]).wait()

                def prob16(sl):
                    ir = ir_v[sl]
                    pe = pe_v[sl]
                    it = ir >> 3
                    rs = ir & 7
                    hi = pe >= _HALF
                    tw = plsc.load_gather(
                        t2_v, [pe - jnp.where(hi, _HALF, 0)])
                    bits = jnp.where(hi, tw & jnp.int32(-65536), tw << 16)
                    tv = plsc.bitcast(bits, jnp.float32)
                    av = plsc.load_gather(a_v, [it])
                    bi = it + rs * N_ITEMS
                    bu = plsc.load_gather(
                        b_v, [jnp.maximum(bi - 2 * N_ITEMS, 0)])
                    bl = plsc.load_gather(
                        b_v, [jnp.minimum(bi - N_ITEMS, N_ITEMS * 4 - 1)])
                    su = 1.0 / (1.0 + jnp.exp(av * (bu - tv)))
                    slo = 1.0 / (1.0 + jnp.exp(av * (bl - tv)))
                    upper = jnp.where(rs == 1, 1.0, su)
                    lower = jnp.where(rs == N_GRADES, 0.0, slo)
                    return jnp.clip(upper - lower, 1e-12, 1.0)

                @plsc.parallel_loop(0, CH // (2 * L), unroll=2)
                def step(s):
                    p0 = prob16(pl.ds(s * (2 * L), L))
                    p1 = prob16(pl.ds(s * (2 * L) + L, L))
                    pb[pl.ds(s * (2 * L), 2 * L)] = plsc.pack(
                        p0, p1, format=plsc.PackFormat.INTERLEAVED)

                pltpu.async_copy(
                    pb, p_h.at[pl.ds(base + ci * CH, CH)], psems[b])
                fire_idx(ci + 2, b)
            return carry

        lax.fori_loop(0, n_ch // 2, pair, 0)

        for b in range(2):
            pltpu.make_async_copy(
                pbufs[b], p_h.at[pl.ds(0, CH)], psems[b]).wait()
            for src, dst in zip((ir_h, pe_h), ibufs[b]):
                pltpu.make_async_copy(
                    src.at[pl.ds(0, CH)], dst, isems[b]).wait()

    return _sc_body


@functools.cache
def _make_sc_gather(n_resp):
    mesh = plsc.VectorSubcoreMesh(
        core_axis_name="c", subcore_axis_name="s",
        num_cores=NC, num_subcores=NS)
    return functools.partial(
        pl.kernel,
        out_type=jax.ShapeDtypeStruct((n_resp,), jnp.bfloat16),
        mesh=mesh,
        scratch_types=[
            pltpu.VMEM((N_ITEMS,), jnp.float32),
            pltpu.VMEM((N_ITEMS * 4,), jnp.float32),
            pltpu.VMEM((N_PERSONS // 2,), jnp.int32),
            pltpu.VMEM((CH,), jnp.int32),
            pltpu.VMEM((CH,), jnp.int32),
            pltpu.VMEM((CH,), jnp.int32),
            pltpu.VMEM((CH,), jnp.int32),
            pltpu.VMEM((CH,), jnp.bfloat16),
            pltpu.VMEM((CH,), jnp.bfloat16),
            pltpu.SemaphoreType.DMA,
            pltpu.SemaphoreType.DMA,
            pltpu.SemaphoreType.DMA,
            pltpu.SemaphoreType.DMA,
        ],
        compiler_params=pltpu.CompilerParams(needs_layout_passes=False),
    )(_make_sc_body(n_resp))


_RG = 16


def _reduce_body(p_ref, prior_ref, out_ref, acc_ref):
    i = pl.program_id(0)

    @pl.when(i == 0)
    def _():
        acc_ref[0] = 0.0

    acc_ref[0] += jnp.sum(jnp.log(p_ref[...].astype(jnp.float32)))

    @pl.when(i == _RG - 1)
    def _():
        out_ref[0, 0] = acc_ref[0] + prior_ref[0, 0]


def _reduce(p2d, prior):
    rows = p2d.shape[0] // _RG
    return pl.pallas_call(
        _reduce_body,
        grid=(_RG,),
        out_shape=jax.ShapeDtypeStruct((1, 1), jnp.float32),
        in_specs=(
            pl.BlockSpec((rows, 128), lambda i: (i, 0)),
            pl.BlockSpec(memory_space=pltpu.SMEM),
        ),
        out_specs=pl.BlockSpec(memory_space=pltpu.SMEM),
        scratch_shapes=[pltpu.SMEM((1,), jnp.float32)],
    )(p2d, prior)


def kernel(indices, a_, b_base_, b_diff_, t):
    itemresp = (indices[:, 0] << 3) | indices[:, 2]
    person = indices[:, 1]
    a, b0, b1, b2, b3, t2, prior = _prep(a_, b_base_, b_diff_, t)
    p = _make_sc_gather(N_RESP)(itemresp, person, a, b0, b1, b2, b3, t2)
    out = _reduce(p.reshape(N_RESP // 128, 128), prior)
    return -out.reshape(())

# --- scband reference (transcript-rebuilt; emitter-appended) ---
"""Pipeline reference for scband-grmmapmodule-48730698940989 (READ-ONLY COPY).

The authoritative reference and input builder live on the scoring server;
editing this copy changes nothing except your own understanding.
"""

import jax, jax.numpy as jnp
import numpy as np

N_ITEMS = 10000
N_PERSONS = 100000
N_GRADES = 5
N_RESP = 1048576


def normal_log_pdf(x, mean=0.0, std=1.0):
    return jnp.sum(-0.5 * jnp.log(2.0 * jnp.pi) - jnp.log(std) - 0.5 * ((x - mean) / std) ** 2)


def log_likelihood2(a, b, t, item, person, response):
    # Graded Response Model likelihood.
    # a: (n_items,), b: (n_items, n_grades-1), t: (n_persons,)
    a_i = jnp.take(a, item)            # (N,)  gather
    b_i = jnp.take(b, item, axis=0)    # (N, K-1) gather
    t_p = jnp.take(t, person)          # (N,)  gather
    # cumulative category boundary probs P*(X >= k) = sigmoid(a*(t - b_k))
    cum = jax.nn.sigmoid(a_i[:, None] * (t_p[:, None] - b_i))  # (N, K-1)
    n = item.shape[0]
    probs_star = jnp.concatenate(
        [jnp.ones((n, 1), dtype=cum.dtype), cum, jnp.zeros((n, 1), dtype=cum.dtype)],
        axis=1,
    )  # (N, K+1); boundaries for grades 0..K
    upper = jnp.take_along_axis(probs_star, (response - 1)[:, None], axis=1)[:, 0]
    lower = jnp.take_along_axis(probs_star, response[:, None], axis=1)[:, 0]
    p = jnp.clip(upper - lower, 1e-12, 1.0)
    return jnp.sum(jnp.log(p))


def setup_inputs(seed: int = 0) -> dict:
    key = jax.random.key(seed)
    k1, k2, k3, k4, k5, k6, k7 = jax.random.split(key, 7)
    item = jax.random.randint(k1, (N_RESP,), 0, N_ITEMS)
    person = jax.random.randint(k2, (N_RESP,), 0, N_PERSONS)
    resp = jax.random.randint(k3, (N_RESP,), 1, N_GRADES + 1)  # grades 1..K
    indices = jnp.stack([item, person, resp], axis=1)
    # learned parameters (zeros in the torch module; small randn here for non-degenerate grads)
    a_ = jax.random.normal(k4, (N_ITEMS,), dtype=jnp.float32) * 0.1
    b_base_ = jax.random.normal(k5, (N_ITEMS, 1), dtype=jnp.float32) * 0.1
    b_diff_ = jax.random.normal(k6, (N_ITEMS, N_GRADES - 2), dtype=jnp.float32) * 0.1
    t = jax.random.normal(k7, (N_PERSONS,), dtype=jnp.float32) * 0.1
    return {"indices": indices, "a_": a_, "b_base_": b_base_, "b_diff_": b_diff_, "t": t}


def reference(indices, a_, b_base_, b_diff_, t):
    a = jax.nn.softplus(a_)
    b = jnp.cumsum(jnp.concatenate([b_base_, jax.nn.softplus(b_diff_)], axis=1), axis=1)
    # non-hierarchical: a_prior, b_prior, t_prior are all standard Normal(0,1)
    log_prior = normal_log_pdf(a) + normal_log_pdf(b) + normal_log_pdf(t)
    log_likelihood = log_likelihood2(a, b, t, indices[:, 0], indices[:, 1], indices[:, 2])
    log_posterior = log_likelihood + log_prior * (indices.shape[0] / N_RESP)
    return -log_posterior

if __name__ == "__main__":
    import jax
    _d = setup_inputs()
    print(jax.jit(kernel)(*tuple(_d.values())))

</pallas_src>

<mosaic_0001>
#map = affine_map<(d0, d1) -> (0)>
module attributes {stable_mosaic.version = 14 : i64} {
  func.func @_sc_body(%arg0: i32, %arg1: i32, %arg2: memref<1048576xi32, #tpu.memory_space<hbm>>, %arg3: memref<1048576xi32, #tpu.memory_space<hbm>>, %arg4: memref<10000xf32, #tpu.memory_space<hbm>>, %arg5: memref<10000xf32, #tpu.memory_space<hbm>>, %arg6: memref<10000xf32, #tpu.memory_space<hbm>>, %arg7: memref<10000xf32, #tpu.memory_space<hbm>>, %arg8: memref<10000xf32, #tpu.memory_space<hbm>>, %arg9: memref<50000xi32, #tpu.memory_space<hbm>>, %arg10: memref<1048576xbf16, #tpu.memory_space<hbm>>, %arg11: memref<10000xf32, #tpu.memory_space<vmem>>, %arg12: memref<40000xf32, #tpu.memory_space<vmem>>, %arg13: memref<50000xi32, #tpu.memory_space<vmem>>, %arg14: memref<2048xi32, #tpu.memory_space<vmem>>, %arg15: memref<2048xi32, #tpu.memory_space<vmem>>, %arg16: memref<2048xi32, #tpu.memory_space<vmem>>, %arg17: memref<2048xi32, #tpu.memory_space<vmem>>, %arg18: memref<2048xbf16, #tpu.memory_space<vmem>>, %arg19: memref<2048xbf16, #tpu.memory_space<vmem>>, %arg20: memref<!tpu.dma_semaphore, #tpu.memory_space<semaphore_mem>>, %arg21: memref<!tpu.dma_semaphore, #tpu.memory_space<semaphore_mem>>, %arg22: memref<!tpu.dma_semaphore, #tpu.memory_space<semaphore_mem>>, %arg23: memref<!tpu.dma_semaphore, #tpu.memory_space<semaphore_mem>>) attributes {dimension_semantics = [#tpu.dimension_semantics<core_parallel>, #tpu.dimension_semantics<subcore_parallel>], iteration_bounds = array<i64: 2, 16>, scalar_prefetch = 0 : i64, scratch_operands = 13 : i64, tpu.core_type = #tpu.core_type<sc_vector_subcore>, window_params = [{transform_indices = #map}, {transform_indices = #map}, {transform_indices = #map}, {transform_indices = #map}, {transform_indices = #map}, {transform_indices = #map}, {transform_indices = #map}, {transform_indices = #map}, {transform_indices = #map}]} {
    %mul3A = arith.constant 2 : i32
    %mul3A_0 = arith.muli %arg1, %mul3A : i32
    %add3A = arith.addi %mul3A_0, %arg0 : i32
    "tpu.region"() ({
      %run_scoped3A = tpu.sem_alloc : memref<!tpu.dma_semaphore, #tpu.memory_space<semaphore_mem>>
      tpu.enqueue_dma source(%arg4 : memref<10000xf32, #tpu.memory_space<hbm>>) target(%arg11 : memref<10000xf32, #tpu.memory_space<vmem>>) target_semaphore(%run_scoped3A : memref<!tpu.dma_semaphore, #tpu.memory_space<semaphore_mem>>)
      tpu.wait_dma2 semaphore(%run_scoped3A : memref<!tpu.dma_semaphore, #tpu.memory_space<semaphore_mem>>) src(%arg4 : memref<10000xf32, #tpu.memory_space<hbm>>) dst(%arg11 : memref<10000xf32, #tpu.memory_space<vmem>>)
      tpu.yield
    }) : () -> ()
    "tpu.region"() ({
      %run_scoped3A = tpu.sem_alloc : memref<!tpu.dma_semaphore, #tpu.memory_space<semaphore_mem>>
      %dma_start3A_49 = arith.constant 0 : i32
      %dma_start3A_50 = tpu.memref_slice %arg12[%dma_start3A_49] : memref<40000xf32, #tpu.memory_space<vmem>> -> memref<10000xf32, #tpu.memory_space<vmem>>
      %dma_start3A_51 = arith.constant 0 : i32
      %dma_start3A_52 = tpu.memref_slice %arg12[%dma_start3A_51] : memref<40000xf32, #tpu.memory_space<vmem>> -> memref<10000xf32, #tpu.memory_space<vmem>>
      tpu.enqueue_dma source(%arg5 : memref<10000xf32, #tpu.memory_space<hbm>>) target(%dma_start3A_52 : memref<10000xf32, #tpu.memory_space<vmem>>) target_semaphore(%run_scoped3A : memref<!tpu.dma_semaphore, #tpu.memory_space<semaphore_mem>>)
      %dma_wait3A_53 = arith.constant 0 : i32
      %dma_wait3A_54 = tpu.memref_slice %arg12[%dma_wait3A_53] : memref<40000xf32, #tpu.memory_space<vmem>> -> memref<10000xf32, #tpu.memory_space<vmem>>
      %dma_wait3A_55 = arith.constant 0 : i32
      %dma_wait3A_56 = tpu.memref_slice %arg12[%dma_wait3A_55] : memref<40000xf32, #tpu.memory_space<vmem>> -> memref<10000xf32, #tpu.memory_space<vmem>>
      tpu.wait_dma2 semaphore(%run_scoped3A : memref<!tpu.dma_semaphore, #tpu.memory_space<semaphore_mem>>) src(%arg5 : memref<10000xf32, #tpu.memory_space<hbm>>) dst(%dma_wait3A_56 : memref<10000xf32, #tpu.memory_space<vmem>>)
      tpu.yield
    }) : () -> ()
    "tpu.region"() ({
      %run_scoped3A = tpu.sem_alloc : memref<!tpu.dma_semaphore, #tpu.memory_space<semaphore_mem>>
      %dma_start3A_49 = arith.constant 10000 : i32
      %dma_start3A_50 = tpu.memref_slice %arg12[%dma_start3A_49] : memref<40000xf32, #tpu.memory_space<vmem>> -> memref<10000xf32, #tpu.memory_space<vmem>>
      %dma_start3A_51 = arith.constant 10000 : i32
      %dma_start3A_52 = tpu.memref_slice %arg12[%dma_start3A_51] : memref<40000xf32, #tpu.memory_space<vmem>> -> memref<10000xf32, #tpu.memory_space<vmem>>
      tpu.enqueue_dma source(%arg6 : memref<10000xf32, #tpu.memory_space<hbm>>) target(%dma_start3A_52 : memref<10000xf32, #tpu.memory_space<vmem>>) target_semaphore(%run_scoped3A : memref<!tpu.dma_semaphore, #tpu.memory_space<semaphore_mem>>)
      %dma_wait3A_53 = arith.constant 10000 : i32
      %dma_wait3A_54 = tpu.memref_slice %arg12[%dma_wait3A_53] : memref<40000xf32, #tpu.memory_space<vmem>> -> memref<10000xf32, #tpu.memory_space<vmem>>
      %dma_wait3A_55 = arith.constant 10000 : i32
      %dma_wait3A_56 = tpu.memref_slice %arg12[%dma_wait3A_55] : memref<40000xf32, #tpu.memory_space<vmem>> -> memref<10000xf32, #tpu.memory_space<vmem>>
      tpu.wait_dma2 semaphore(%run_scoped3A : memref<!tpu.dma_semaphore, #tpu.memory_space<semaphore_mem>>) src(%arg6 : memref<10000xf32, #tpu.memory_space<hbm>>) dst(%dma_wait3A_56 : memref<10000xf32, #tpu.memory_space<vmem>>)
      tpu.yield
    }) : () -> ()
    "tpu.region"() ({
      %run_scoped3A = tpu.sem_alloc : memref<!tpu.dma_semaphore, #tpu.memory_space<semaphore_mem>>
      %dma_start3A_49 = arith.constant 20000 : i32
      %dma_start3A_50 = tpu.memref_slice %arg12[%dma_start3A_49] : memref<40000xf32, #tpu.memory_space<vmem>> -> memref<10000xf32, #tpu.memory_space<vmem>>
      %dma_start3A_51 = arith.constant 20000 : i32
      %dma_start3A_52 = tpu.memref_slice %arg12[%dma_start3A_51] : memref<40000xf32, #tpu.memory_space<vmem>> -> memref<10000xf32, #tpu.memory_space<vmem>>
      tpu.enqueue_dma source(%arg7 : memref<10000xf32, #tpu.memory_space<hbm>>) target(%dma_start3A_52 : memref<10000xf32, #tpu.memory_space<vmem>>) target_semaphore(%run_scoped3A : memref<!tpu.dma_semaphore, #tpu.memory_space<semaphore_mem>>)
      %dma_wait3A_53 = arith.constant 20000 : i32
      %dma_wait3A_54 = tpu.memref_slice %arg12[%dma_wait3A_53] : memref<40000xf32, #tpu.memory_space<vmem>> -> memref<10000xf32, #tpu.memory_space<vmem>>
      %dma_wait3A_55 = arith.constant 20000 : i32
      %dma_wait3A_56 = tpu.memref_slice %arg12[%dma_wait3A_55] : memref<40000xf32, #tpu.memory_space<vmem>> -> memref<10000xf32, #tpu.memory_space<vmem>>
      tpu.wait_dma2 semaphore(%run_scoped3A : memref<!tpu.dma_semaphore, #tpu.memory_space<semaphore_mem>>) src(%arg7 : memref<10000xf32, #tpu.memory_space<hbm>>) dst(%dma_wait3A_56 : memref<10000xf32, #tpu.memory_space<vmem>>)
      tpu.yield
    }) : () -> ()
    "tpu.region"() ({
      %run_scoped3A = tpu.sem_alloc : memref<!tpu.dma_semaphore, #tpu.memory_space<semaphore_mem>>
      %dma_start3A_49 = arith.constant 30000 : i32
      %dma_start3A_50 = tpu.memref_slice %arg12[%dma_start3A_49] : memref<40000xf32, #tpu.memory_space<vmem>> -> memref<10000xf32, #tpu.memory_space<vmem>>
      %dma_start3A_51 = arith.constant 30000 : i32
      %dma_start3A_52 = tpu.memref_slice %arg12[%dma_start3A_51] : memref<40000xf32, #tpu.memory_space<vmem>> -> memref<10000xf32, #tpu.memory_space<vmem>>
      tpu.enqueue_dma source(%arg8 : memref<10000xf32, #tpu.memory_space<hbm>>) target(%dma_start3A_52 : memref<10000xf32, #tpu.memory_space<vmem>>) target_semaphore(%run_scoped3A : memref<!tpu.dma_semaphore, #tpu.memory_space<semaphore_mem>>)
      %dma_wait3A_53 = arith.constant 30000 : i32
      %dma_wait3A_54 = tpu.memref_slice %arg12[%dma_wait3A_53] : memref<40000xf32, #tpu.memory_space<vmem>> -> memref<10000xf32, #tpu.memory_space<vmem>>
      %dma_wait3A_55 = arith.constant 30000 : i32
      %dma_wait3A_56 = tpu.memref_slice %arg12[%dma_wait3A_55] : memref<40000xf32, #tpu.memory_space<vmem>> -> memref<10000xf32, #tpu.memory_space<vmem>>
      tpu.wait_dma2 semaphore(%run_scoped3A : memref<!tpu.dma_semaphore, #tpu.memory_space<semaphore_mem>>) src(%arg8 : memref<10000xf32, #tpu.memory_space<hbm>>) dst(%dma_wait3A_56 : memref<10000xf32, #tpu.memory_space<vmem>>)
      tpu.yield
    }) : () -> ()
    "tpu.region"() ({
      %run_scoped3A = tpu.sem_alloc : memref<!tpu.dma_semaphore, #tpu.memory_space<semaphore_mem>>
      tpu.enqueue_dma source(%arg9 : memref<50000xi32, #tpu.memory_space<hbm>>) target(%arg13 : memref<50000xi32, #tpu.memory_space<vmem>>) target_semaphore(%run_scoped3A : memref<!tpu.dma_semaphore, #tpu.memory_space<semaphore_mem>>)
      tpu.wait_dma2 semaphore(%run_scoped3A : memref<!tpu.dma_semaphore, #tpu.memory_space<semaphore_mem>>) src(%arg9 : memref<50000xi32, #tpu.memory_space<hbm>>) dst(%arg13 : memref<50000xi32, #tpu.memory_space<vmem>>)
      tpu.yield
    }) : () -> ()
    %mul3A_1 = arith.constant 32768 : i32
    %mul3A_2 = arith.muli %add3A, %mul3A_1 : i32
    %rem3A = arith.constant 0 : i32
    %rem3A_3 = arith.constant 16 : i32
    %rem3A_4 = arith.remsi %rem3A, %rem3A_3 : i32
    %mul3A_5 = arith.constant 2048 : i32
    %mul3A_6 = arith.muli %rem3A_4, %mul3A_5 : i32
    %add3A_7 = arith.addi %mul3A_2, %mul3A_6 : i32
    %dma_start3A = tpu.memref_slice %arg2[%add3A_7] : memref<1048576xi32, #tpu.memory_space<hbm>> -> memref<2048xi32, #tpu.memory_space<hbm>>
    %dma_start3A_8 = tpu.memref_slice %arg2[%add3A_7] : memref<1048576xi32, #tpu.memory_space<hbm>> -> memref<2048xi32, #tpu.memory_space<hbm>>
    tpu.enqueue_dma source(%dma_start3A_8 : memref<2048xi32, #tpu.memory_space<hbm>>) target(%arg14 : memref<2048xi32, #tpu.memory_space<vmem>>) target_semaphore(%arg20 : memref<!tpu.dma_semaphore, #tpu.memory_space<semaphore_mem>>)
    %dma_start3A_9 = tpu.memref_slice %arg3[%add3A_7] : memref<1048576xi32, #tpu.memory_space<hbm>> -> memref<2048xi32, #tpu.memory_space<hbm>>
    %dma_start3A_10 = tpu.memref_slice %arg3[%add3A_7] : memref<1048576xi32, #tpu.memory_space<hbm>> -> memref<2048xi32, #tpu.memory_space<hbm>>
    tpu.enqueue_dma source(%dma_start3A_10 : memref<2048xi32, #tpu.memory_space<hbm>>) target(%arg16 : memref<2048xi32, #tpu.memory_space<vmem>>) target_semaphore(%arg20 : memref<!tpu.dma_semaphore, #tpu.memory_space<semaphore_mem>>)
    %rem3A_11 = arith.constant 1 : i32
    %rem3A_12 = arith.constant 16 : i32
    %rem3A_13 = arith.remsi %rem3A_11, %rem3A_12 : i32
    %mul3A_14 = arith.constant 2048 : i32
    %mul3A_15 = arith.muli %rem3A_13, %mul3A_14 : i32
    %add3A_16 = arith.addi %mul3A_2, %mul3A_15 : i32
    %dma_start3A_17 = tpu.memref_slice %arg2[%add3A_16] : memref<1048576xi32, #tpu.memory_space<hbm>> -> memref<2048xi32, #tpu.memory_space<hbm>>
    %dma_start3A_18 = tpu.memref_slice %arg2[%add3A_16] : memref<1048576xi32, #tpu.memory_space<hbm>> -> memref<2048xi32, #tpu.memory_space<hbm>>
    tpu.enqueue_dma source(%dma_start3A_18 : memref<2048xi32, #tpu.memory_space<hbm>>) target(%arg15 : memref<2048xi32, #tpu.memory_space<vmem>>) target_semaphore(%arg21 : memref<!tpu.dma_semaphore, #tpu.memory_space<semaphore_mem>>)
    %dma_start3A_19 = tpu.memref_slice %arg3[%add3A_16] : memref<1048576xi32, #tpu.memory_space<hbm>> -> memref<2048xi32, #tpu.memory_space<hbm>>
    %dma_start3A_20 = tpu.memref_slice %arg3[%add3A_16] : memref<1048576xi32, #tpu.memory_space<hbm>> -> memref<2048xi32, #tpu.memory_space<hbm>>
    tpu.enqueue_dma source(%dma_start3A_20 : memref<2048xi32, #tpu.memory_space<hbm>>) target(%arg17 : memref<2048xi32, #tpu.memory_space<vmem>>) target_semaphore(%arg21 : memref<!tpu.dma_semaphore, #tpu.memory_space<semaphore_mem>>)
    %scan3A = arith.constant 0 : i32
    %scan3A_21 = arith.constant 0 : i32
    %scan3A_22 = arith.constant 8 : i32
    %scan3A_23 = arith.addi %scan3A_21, %scan3A_22 : i32
    %scan3A_24 = arith.constant 1 : i32
    scf.for %scan3A_49 = %scan3A_21 to %scan3A_23 step %scan3A_24  : i32 {
      %mul3A_50 = arith.constant 2 : i32
      %mul3A_51 = arith.muli %mul3A_50, %scan3A_49 : i32
      %add3A_52 = arith.constant 0 : i32
      %add3A_53 = arith.addi %mul3A_51, %add3A_52 : i32
      %dma_wait3A_54 = arith.constant 0 : i32
      %dma_wait3A_55 = tpu.memref_slice %arg2[%dma_wait3A_54] : memref<1048576xi32, #tpu.memory_space<hbm>> -> memref<2048xi32, #tpu.memory_space<hbm>>
      %dma_wait3A_56 = arith.constant 0 : i32
      %dma_wait3A_57 = tpu.memref_slice %arg2[%dma_wait3A_56] : memref<1048576xi32, #tpu.memory_space<hbm>> -> memref<2048xi32, #tpu.memory_space<hbm>>
      tpu.wait_dma2 semaphore(%arg20 : memref<!tpu.dma_semaphore, #tpu.memory_space<semaphore_mem>>) src(%dma_wait3A_57 : memref<2048xi32, #tpu.memory_space<hbm>>) dst(%arg14 : memref<2048xi32, #tpu.memory_space<vmem>>)
      %dma_wait3A_58 = arith.constant 0 : i32
      %dma_wait3A_59 = tpu.memref_slice %arg3[%dma_wait3A_58] : memref<1048576xi32, #tpu.memory_space<hbm>> -> memref<2048xi32, #tpu.memory_space<hbm>>
      %dma_wait3A_60 = arith.constant 0 : i32
      %dma_wait3A_61 = tpu.memref_slice %arg3[%dma_wait3A_60] : memref<1048576xi32, #tpu.memory_space<hbm>> -> memref<2048xi32, #tpu.memory_space<hbm>>
      tpu.wait_dma2 semaphore(%arg20 : memref<!tpu.dma_semaphore, #tpu.memory_space<semaphore_mem>>) src(%dma_wait3A_61 : memref<2048xi32, #tpu.memory_space<hbm>>) dst(%arg16 : memref<2048xi32, #tpu.memory_space<vmem>>)
      %ge3A = arith.constant 1 : i32
      %ge3A_62 = arith.cmpi sge, %scan3A_49, %ge3A : i32
      %convert_element_type3A = arith.extui %ge3A_62 : i1 to i32
      %cond3A = arith.constant 0 : i32
      %cond3A_63 = arith.cmpi ne, %convert_element_type3A, %cond3A : i32
      scf.if %cond3A_63 {
        %dma_wait3A_118 = arith.constant 0 : i32
        %dma_wait3A_119 = tpu.memref_slice %arg10[%dma_wait3A_118] : memref<1048576xbf16, #tpu.memory_space<hbm>> -> memref<2048xbf16, #tpu.memory_space<hbm>>
        %dma_wait3A_120 = arith.constant 0 : i32
        %dma_wait3A_121 = tpu.memref_slice %arg10[%dma_wait3A_120] : memref<1048576xbf16, #tpu.memory_space<hbm>> -> memref<2048xbf16, #tpu.memory_space<hbm>>
        tpu.wait_dma2 semaphore(%arg22 : memref<!tpu.dma_semaphore, #tpu.memory_space<semaphore_mem>>) src(%arg18 : memref<2048xbf16, #tpu.memory_space<vmem>>) dst(%dma_wait3A_121 : memref<2048xbf16, #tpu.memory_space<hbm>>)
      } else {
      }
      %parallel_loop3A = arith.constant 0 : i32
      %parallel_loop3A_64 = arith.constant 64 : i32
      %parallel_loop3A_65 = arith.constant 1 : i32
      scf.for %parallel_loop3A_118 = %parallel_loop3A to %parallel_loop3A_64 step %parallel_loop3A_65  : i32 {
        %parallel_loop3A_119 = arith.constant 32 : i32
        %parallel_loop3A_120 = arith.muli %parallel_loop3A_118, %parallel_loop3A_119 : i32
        %parallel_loop3A_121 = arith.index_cast %parallel_loop3A_120 : i32 to index
        %parallel_loop3A_122 = tpu.vector_load %arg14[%parallel_loop3A_121] {strides = array<i32>} : memref<2048xi32, #tpu.memory_space<vmem>>, vector<16xi32>,
        %parallel_loop3A_123 = arith.index_cast %parallel_loop3A_120 : i32 to index
        %parallel_loop3A_124 = tpu.vector_load %arg16[%parallel_loop3A_123] {strides = array<i32>} : memref<2048xi32, #tpu.memory_space<vmem>>, vector<16xi32>,
        %parallel_loop3A_125 = arith.constant 3 : i32
        %parallel_loop3A_126 = vector.broadcast %parallel_loop3A_125 : i32 to vector<16xi32>
        %parallel_loop3A_127 = arith.shrsi %parallel_loop3A_122, %parallel_loop3A_126 : vector<16xi32>
        %parallel_loop3A_128 = arith.constant 7 : i32
        %parallel_loop3A_129 = vector.broadcast %parallel_loop3A_128 : i32 to vector<16xi32>
        %parallel_loop3A_130 = arith.andi %parallel_loop3A_122, %parallel_loop3A_129 : vector<16xi32>
        %parallel_loop3A_131 = arith.constant 50000 : i32
        %parallel_loop3A_132 = vector.broadcast %parallel_loop3A_131 : i32 to vector<16xi32>
        %parallel_loop3A_133 = arith.cmpi sge, %parallel_loop3A_124, %parallel_loop3A_132 : vector<16xi32>
        %parallel_loop3A_134 = arith.constant 50000 : i32
        %parallel_loop3A_135 = arith.constant 0 : i32
        %parallel_loop3A_136 = vector.broadcast %parallel_loop3A_134 : i32 to vector<16xi32>
        %parallel_loop3A_137 = vector.broadcast %parallel_loop3A_135 : i32 to vector<16xi32>
        %parallel_loop3A_138 = arith.select %parallel_loop3A_133, %parallel_loop3A_136, %parallel_loop3A_137 : vector<16xi1>, vector<16xi32>
        %parallel_loop3A_139 = arith.subi %parallel_loop3A_124, %parallel_loop3A_138 : vector<16xi32>
        %parallel_loop3A_140 = tpu.vector_load_idx %arg13[%parallel_loop3A_139] : memref<50000xi32, #tpu.memory_space<vmem>>[vector<16xi32>], vector<16xi32>,
        %parallel_loop3A_141 = arith.constant -65536 : i32
        %parallel_loop3A_142 = vector.broadcast %parallel_loop3A_141 : i32 to vector<16xi32>
        %parallel_loop3A_143 = arith.andi %parallel_loop3A_140, %parallel_loop3A_142 : vector<16xi32>
        %parallel_loop3A_144 = arith.constant 16 : i32
        %parallel_loop3A_145 = vector.broadcast %parallel_loop3A_144 : i32 to vector<16xi32>
        %parallel_loop3A_146 = arith.shli %parallel_loop3A_140, %parallel_loop3A_145 : vector<16xi32>
        %parallel_loop3A_147 = arith.select %parallel_loop3A_133, %parallel_loop3A_143, %parallel_loop3A_146 : vector<16xi1>, vector<16xi32>
        %parallel_loop3A_148 = vector.bitcast %parallel_loop3A_147 : vector<16xi32> to vector<16xf32>
        %parallel_loop3A_149 = tpu.vector_load_idx %arg11[%parallel_loop3A_127] : memref<10000xf32, #tpu.memory_space<vmem>>[vector<16xi32>], vector<16xf32>,
        %parallel_loop3A_150 = arith.constant 10000 : i32
        %parallel_loop3A_151 = vector.broadcast %parallel_loop3A_150 : i32 to vector<16xi32>
        %parallel_loop3A_152 = arith.muli %parallel_loop3A_130, %parallel_loop3A_151 : vector<16xi32>
        %parallel_loop3A_153 = arith.addi %parallel_loop3A_127, %parallel_loop3A_152 : vector<16xi32>
        %parallel_loop3A_154 = arith.constant 20000 : i32
        %parallel_loop3A_155 = vector.broadcast %parallel_loop3A_154 : i32 to vector<16xi32>
        %parallel_loop3A_156 = arith.subi %parallel_loop3A_153, %parallel_loop3A_155 : vector<16xi32>
        %parallel_loop3A_157 = arith.constant 0 : i32
        %parallel_loop3A_158 = vector.broadcast %parallel_loop3A_157 : i32 to vector<16xi32>
        %parallel_loop3A_159 = arith.maxsi %parallel_loop3A_156, %parallel_loop3A_158 : vector<16xi32>
        %parallel_loop3A_160 = tpu.vector_load_idx %arg12[%parallel_loop3A_159] : memref<40000xf32, #tpu.memory_space<vmem>>[vector<16xi32>], vector<16xf32>,
        %parallel_loop3A_161 = arith.constant 10000 : i32
        %parallel_loop3A_162 = vector.broadcast %parallel_loop3A_161 : i32 to vector<16xi32>
        %parallel_loop3A_163 = arith.subi %parallel_loop3A_153, %parallel_loop3A_162 : vector<16xi32>
        %parallel_loop3A_164 = arith.constant 39999 : i32
        %parallel_loop3A_165 = vector.broadcast %parallel_loop3A_164 : i32 to vector<16xi32>
        %parallel_loop3A_166 = arith.minsi %parallel_loop3A_163, %parallel_loop3A_165 : vector<16xi32>
        %parallel_loop3A_167 = tpu.vector_load_idx %arg12[%parallel_loop3A_166] : memref<40000xf32, #tpu.memory_space<vmem>>[vector<16xi32>], vector<16xf32>,
        %parallel_loop3A_168 = arith.subf %parallel_loop3A_160, %parallel_loop3A_148 : vector<16xf32>
        %parallel_loop3A_169 = arith.mulf %parallel_loop3A_149, %parallel_loop3A_168 : vector<16xf32>
        %parallel_loop3A_170 = math.exp %parallel_loop3A_169 : vector<16xf32>
        %parallel_loop3A_171 = arith.constant 1.000000e+00 : f32
        %parallel_loop3A_172 = vector.broadcast %parallel_loop3A_171 : f32 to vector<16xf32>
        %parallel_loop3A_173 = arith.addf %parallel_loop3A_172, %parallel_loop3A_170 : vector<16xf32>
        %parallel_loop3A_174 = arith.constant 1.000000e+00 : f32
        %parallel_loop3A_175 = vector.broadcast %parallel_loop3A_174 : f32 to vector<16xf32>
        %parallel_loop3A_176 = arith.divf %parallel_loop3A_175, %parallel_loop3A_173 : vector<16xf32>
        %parallel_loop3A_177 = arith.subf %parallel_loop3A_167, %parallel_loop3A_148 : vector<16xf32>
        %parallel_loop3A_178 = arith.mulf %parallel_loop3A_149, %parallel_loop3A_177 : vector<16xf32>
        %parallel_loop3A_179 = math.exp %parallel_loop3A_178 : vector<16xf32>
        %parallel_loop3A_180 = arith.constant 1.000000e+00 : f32
        %parallel_loop3A_181 = vector.broadcast %parallel_loop3A_180 : f32 to vector<16xf32>
        %parallel_loop3A_182 = arith.addf %parallel_loop3A_181, %parallel_loop3A_179 : vector<16xf32>
        %parallel_loop3A_183 = arith.constant 1.000000e+00 : f32
        %parallel_loop3A_184 = vector.broadcast %parallel_loop3A_183 : f32 to vector<16xf32>
        %parallel_loop3A_185 = arith.divf %parallel_loop3A_184, %parallel_loop3A_182 : vector<16xf32>
        %parallel_loop3A_186 = arith.constant 1 : i32
        %parallel_loop3A_187 = vector.broadcast %parallel_loop3A_186 : i32 to vector<16xi32>
        %parallel_loop3A_188 = arith.cmpi eq, %parallel_loop3A_130, %parallel_loop3A_187 : vector<16xi32>
        %parallel_loop3A_189 = arith.constant 1.000000e+00 : f32
        %parallel_loop3A_190 = vector.broadcast %parallel_loop3A_189 : f32 to vector<16xf32>
        %parallel_loop3A_191 = arith.select %parallel_loop3A_188, %parallel_loop3A_190, %parallel_loop3A_176 : vector<16xi1>, vector<16xf32>
        %parallel_loop3A_192 = arith.constant 5 : i32
        %parallel_loop3A_193 = vector.broadcast %parallel_loop3A_192 : i32 to vector<16xi32>
        %parallel_loop3A_194 = arith.cmpi eq, %parallel_loop3A_130, %parallel_loop3A_193 : vector<16xi32>
        %parallel_loop3A_195 = arith.constant 0.000000e+00 : f32
        %parallel_loop3A_196 = vector.broadcast %parallel_loop3A_195 : f32 to vector<16xf32>
        %parallel_loop3A_197 = arith.select %parallel_loop3A_194, %parallel_loop3A_196, %parallel_loop3A_185 : vector<16xi1>, vector<16xf32>
        %parallel_loop3A_198 = arith.subf %parallel_loop3A_191, %parallel_loop3A_197 : vector<16xf32>
        %parallel_loop3A_199 = arith.constant 9.99999996E-13 : f32
        %parallel_loop3A_200 = arith.constant 1.000000e+00 : f32
        %parallel_loop3A_201 = vector.broadcast %parallel_loop3A_199 : f32 to vector<16xf32>
        %parallel_loop3A_202 = arith.maximumf %parallel_loop3A_201, %parallel_loop3A_198 : vector<16xf32>
        %parallel_loop3A_203 = vector.broadcast %parallel_loop3A_200 : f32 to vector<16xf32>
        %parallel_loop3A_204 = arith.minimumf %parallel_loop3A_203, %parallel_loop3A_202 : vector<16xf32>
        %parallel_loop3A_205 = arith.constant 32 : i32
        %parallel_loop3A_206 = arith.muli %parallel_loop3A_118, %parallel_loop3A_205 : i32
        %parallel_loop3A_207 = arith.constant 16 : i32
        %parallel_loop3A_208 = arith.addi %parallel_loop3A_206, %parallel_loop3A_207 : i32
        %parallel_loop3A_209 = arith.index_cast %parallel_loop3A_208 : i32 to index
        %parallel_loop3A_210 = tpu.vector_load %arg14[%parallel_loop3A_209] {strides = array<i32>} : memref<2048xi32, #tpu.memory_space<vmem>>, vector<16xi32>,
        %parallel_loop3A_211 = arith.index_cast %parallel_loop3A_208 : i32 to index
        %parallel_loop3A_212 = tpu.vector_load %arg16[%parallel_loop3A_211] {strides = array<i32>} : memref<2048xi32, #tpu.memory_space<vmem>>, vector<16xi32>,
        %parallel_loop3A_213 = arith.constant 3 : i32
        %parallel_loop3A_214 = vector.broadcast %parallel_loop3A_213 : i32 to vector<16xi32>
        %parallel_loop3A_215 = arith.shrsi %parallel_loop3A_210, %parallel_loop3A_214 : vector<16xi32>
        %parallel_loop3A_216 = arith.constant 7 : i32
        %parallel_loop3A_217 = vector.broadcast %parallel_loop3A_216 : i32 to vector<16xi32>
        %parallel_loop3A_218 = arith.andi %parallel_loop3A_210, %parallel_loop3A_217 : vector<16xi32>
        %parallel_loop3A_219 = arith.constant 50000 : i32
        %parallel_loop3A_220 = vector.broadcast %parallel_loop3A_219 : i32 to vector<16xi32>
        %parallel_loop3A_221 = arith.cmpi sge, %parallel_loop3A_212, %parallel_loop3A_220 : vector<16xi32>
        %parallel_loop3A_222 = arith.constant 50000 : i32
        %parallel_loop3A_223 = arith.constant 0 : i32
        %parallel_loop3A_224 = vector.broadcast %parallel_loop3A_222 : i32 to vector<16xi32>
        %parallel_loop3A_225 = vector.broadcast %parallel_loop3A_223 : i32 to vector<16xi32>
        %parallel_loop3A_226 = arith.select %parallel_loop3A_221, %parallel_loop3A_224, %parallel_loop3A_225 : vector<16xi1>, vector<16xi32>
        %parallel_loop3A_227 = arith.subi %parallel_loop3A_212, %parallel_loop3A_226 : vector<16xi32>
        %parallel_loop3A_228 = tpu.vector_load_idx %arg13[%parallel_loop3A_227] : memref<50000xi32, #tpu.memory_space<vmem>>[vector<16xi32>], vector<16xi32>,
        %parallel_loop3A_229 = arith.constant -65536 : i32
        %parallel_loop3A_230 = vector.broadcast %parallel_loop3A_229 : i32 to vector<16xi32>
        %parallel_loop3A_231 = arith.andi %parallel_loop3A_228, %parallel_loop3A_230 : vector<16xi32>
        %parallel_loop3A_232 = arith.constant 16 : i32
        %parallel_loop3A_233 = vector.broadcast %parallel_loop3A_232 : i32 to vector<16xi32>
        %parallel_loop3A_234 = arith.shli %parallel_loop3A_228, %parallel_loop3A_233 : vector<16xi32>
        %parallel_loop3A_235 = arith.select %parallel_loop3A_221, %parallel_loop3A_231, %parallel_loop3A_234 : vector<16xi1>, vector<16xi32>
        %parallel_loop3A_236 = vector.bitcast %parallel_loop3A_235 : vector<16xi32> to vector<16xf32>
        %parallel_loop3A_237 = tpu.vector_load_idx %arg11[%parallel_loop3A_215] : memref<10000xf32, #tpu.memory_space<vmem>>[vector<16xi32>], vector<16xf32>,
        %parallel_loop3A_238 = arith.constant 10000 : i32
        %parallel_loop3A_239 = vector.broadcast %parallel_loop3A_238 : i32 to vector<16xi32>
        %parallel_loop3A_240 = arith.muli %parallel_loop3A_218, %parallel_loop3A_239 : vector<16xi32>
        %parallel_loop3A_241 = arith.addi %parallel_loop3A_215, %parallel_loop3A_240 : vector<16xi32>
        %parallel_loop3A_242 = arith.constant 20000 : i32
        %parallel_loop3A_243 = vector.broadcast %parallel_loop3A_242 : i32 to vector<16xi32>
        %parallel_loop3A_244 = arith.subi %parallel_loop3A_241, %parallel_loop3A_243 : vector<16xi32>
        %parallel_loop3A_245 = arith.constant 0 : i32
        %parallel_loop3A_246 = vector.broadcast %parallel_loop3A_245 : i32 to vector<16xi32>
        %parallel_loop3A_247 = arith.maxsi %parallel_loop3A_244, %parallel_loop3A_246 : vector<16xi32>
        %parallel_loop3A_248 = tpu.vector_load_idx %arg12[%parallel_loop3A_247] : memref<40000xf32, #tpu.memory_space<vmem>>[vector<16xi32>], vector<16xf32>,
        %parallel_loop3A_249 = arith.constant 10000 : i32
        %parallel_loop3A_250 = vector.broadcast %parallel_loop3A_249 : i32 to vector<16xi32>
        %parallel_loop3A_251 = arith.subi %parallel_loop3A_241, %parallel_loop3A_250 : vector<16xi32>
        %parallel_loop3A_252 = arith.constant 39999 : i32
        %parallel_loop3A_253 = vector.broadcast %parallel_loop3A_252 : i32 to vector<16xi32>
        %parallel_loop3A_254 = arith.minsi %parallel_loop3A_251, %parallel_loop3A_253 : vector<16xi32>
        %parallel_loop3A_255 = tpu.vector_load_idx %arg12[%parallel_loop3A_254] : memref<40000xf32, #tpu.memory_space<vmem>>[vector<16xi32>], vector<16xf32>,
        %parallel_loop3A_256 = arith.subf %parallel_loop3A_248, %parallel_loop3A_236 : vector<16xf32>
        %parallel_loop3A_257 = arith.mulf %parallel_loop3A_237, %parallel_loop3A_256 : vector<16xf32>
        %parallel_loop3A_258 = math.exp %parallel_loop3A_257 : vector<16xf32>
        %parallel_loop3A_259 = arith.constant 1.000000e+00 : f32
        %parallel_loop3A_260 = vector.broadcast %parallel_loop3A_259 : f32 to vector<16xf32>
        %parallel_loop3A_261 = arith.addf %parallel_loop3A_260, %parallel_loop3A_258 : vector<16xf32>
        %parallel_loop3A_262 = arith.constant 1.000000e+00 : f32
        %parallel_loop3A_263 = vector.broadcast %parallel_loop3A_262 : f32 to vector<16xf32>
        %parallel_loop3A_264 = arith.divf %parallel_loop3A_263, %parallel_loop3A_261 : vector<16xf32>
        %parallel_loop3A_265 = arith.subf %parallel_loop3A_255, %parallel_loop3A_236 : vector<16xf32>
        %parallel_loop3A_266 = arith.mulf %parallel_loop3A_237, %parallel_loop3A_265 : vector<16xf32>
        %parallel_loop3A_267 = math.exp %parallel_loop3A_266 : vector<16xf32>
        %parallel_loop3A_268 = arith.constant 1.000000e+00 : f32
        %parallel_loop3A_269 = vector.broadcast %parallel_loop3A_268 : f32 to vector<16xf32>
        %parallel_loop3A_270 = arith.addf %parallel_loop3A_269, %parallel_loop3A_267 : vector<16xf32>
        %parallel_loop3A_271 = arith.constant 1.000000e+00 : f32
        %parallel_loop3A_272 = vector.broadcast %parallel_loop3A_271 : f32 to vector<16xf32>
        %parallel_loop3A_273 = arith.divf %parallel_loop3A_272, %parallel_loop3A_270 : vector<16xf32>
        %parallel_loop3A_274 = arith.constant 1 : i32
        %parallel_loop3A_275 = vector.broadcast %parallel_loop3A_274 : i32 to vector<16xi32>
        %parallel_loop3A_276 = arith.cmpi eq, %parallel_loop3A_218, %parallel_loop3A_275 : vector<16xi32>
        %parallel_loop3A_277 = arith.constant 1.000000e+00 : f32
        %parallel_loop3A_278 = vector.broadcast %parallel_loop3A_277 : f32 to vector<16xf32>
        %parallel_loop3A_279 = arith.select %parallel_loop3A_276, %parallel_loop3A_278, %parallel_loop3A_264 : vector<16xi1>, vector<16xf32>
        %parallel_loop3A_280 = arith.constant 5 : i32
        %parallel_loop3A_281 = vector.broadcast %parallel_loop3A_280 : i32 to vector<16xi32>
        %parallel_loop3A_282 = arith.cmpi eq, %parallel_loop3A_218, %parallel_loop3A_281 : vector<16xi32>
        %parallel_loop3A_283 = arith.constant 0.000000e+00 : f32
        %parallel_loop3A_284 = vector.broadcast %parallel_loop3A_283 : f32 to vector<16xf32>
        %parallel_loop3A_285 = arith.select %parallel_loop3A_282, %parallel_loop3A_284, %parallel_loop3A_273 : vector<16xi1>, vector<16xf32>
        %parallel_loop3A_286 = arith.subf %parallel_loop3A_279, %parallel_loop3A_285 : vector<16xf32>
        %parallel_loop3A_287 = arith.constant 9.99999996E-13 : f32
        %parallel_loop3A_288 = arith.constant 1.000000e+00 : f32
        %parallel_loop3A_289 = vector.broadcast %parallel_loop3A_287 : f32 to vector<16xf32>
        %parallel_loop3A_290 = arith.maximumf %parallel_loop3A_289, %parallel_loop3A_286 : vector<16xf32>
        %parallel_loop3A_291 = vector.broadcast %parallel_loop3A_288 : f32 to vector<16xf32>
        %parallel_loop3A_292 = arith.minimumf %parallel_loop3A_291, %parallel_loop3A_290 : vector<16xf32>
        %parallel_loop3A_293 = tpu.pack_subelements %parallel_loop3A_204, %parallel_loop3A_292 {pack_format = #tpu.pack_format<interleaved>, positions = array<i32: 0, 1>} : vector<16xf32>, vector<16xf32> -> vector<32xbf16>
        %parallel_loop3A_294 = arith.constant 32 : i32
        %parallel_loop3A_295 = arith.muli %parallel_loop3A_118, %parallel_loop3A_294 : i32
        %parallel_loop3A_296 = arith.index_cast %parallel_loop3A_295 : i32 to index
        %parallel_loop3A_297 = tpu.vector_load %arg18[%parallel_loop3A_296] {strides = array<i32>} : memref<2048xbf16, #tpu.memory_space<vmem>>, vector<32xbf16>,
        tpu.vector_store %arg18[%parallel_loop3A_296], %parallel_loop3A_293 {strides = array<i32>} : memref<2048xbf16, #tpu.memory_space<vmem>>, vector<32xbf16>,
      } {sc.loop_unroll_factor = 2 : i64, sc.parallel_access}
      %mul3A_66 = arith.constant 2048 : i32
      %mul3A_67 = arith.muli %add3A_53, %mul3A_66 : i32
      %add3A_68 = arith.addi %mul3A_2, %mul3A_67 : i32
      %dma_start3A_69 = tpu.memref_slice %arg10[%add3A_68] : memref<1048576xbf16, #tpu.memory_space<hbm>> -> memref<2048xbf16, #tpu.memory_space<hbm>>
      %dma_start3A_70 = tpu.memref_slice %arg10[%add3A_68] : memref<1048576xbf16, #tpu.memory_space<hbm>> -> memref<2048xbf16, #tpu.memory_space<hbm>>
      tpu.enqueue_dma source(%arg18 : memref<2048xbf16, #tpu.memory_space<vmem>>) target(%dma_start3A_70 : memref<2048xbf16, #tpu.memory_space<hbm>>) target_semaphore(%arg22 : memref<!tpu.dma_semaphore, #tpu.memory_space<semaphore_mem>>)
      %add3A_71 = arith.constant 2 : i32
      %add3A_72 = arith.addi %add3A_53, %add3A_71 : i32
      %rem3A_73 = arith.constant 16 : i32
      %rem3A_74 = arith.remsi %add3A_72, %rem3A_73 : i32
      %mul3A_75 = arith.constant 2048 : i32
      %mul3A_76 = arith.muli %rem3A_74, %mul3A_75 : i32
      %add3A_77 = arith.addi %mul3A_2, %mul3A_76 : i32
      %dma_start3A_78 = tpu.memref_slice %arg2[%add3A_77] : memref<1048576xi32, #tpu.memory_space<hbm>> -> memref<2048xi32, #tpu.memory_space<hbm>>
      %dma_start3A_79 = tpu.memref_slice %arg2[%add3A_77] : memref<1048576xi32, #tpu.memory_space<hbm>> -> memref<2048xi32, #tpu.memory_space<hbm>>
      tpu.enqueue_dma source(%dma_start3A_79 : memref<2048xi32, #tpu.memory_space<hbm>>) target(%arg14 : memref<2048xi32, #tpu.memory_space<vmem>>) target_semaphore(%arg20 : memref<!tpu.dma_semaphore, #tpu.memory_space<semaphore_mem>>)
      %dma_start3A_80 = tpu.memref_slice %arg3[%add3A_77] : memref<1048576xi32, #tpu.memory_space<hbm>> -> memref<2048xi32, #tpu.memory_space<hbm>>
      %dma_start3A_81 = tpu.memref_slice %arg3[%add3A_77] : memref<1048576xi32, #tpu.memory_space<hbm>> -> memref<2048xi32, #tpu.memory_space<hbm>>
      tpu.enqueue_dma source(%dma_start3A_81 : memref<2048xi32, #tpu.memory_space<hbm>>) target(%arg16 : memref<2048xi32, #tpu.memory_space<vmem>>) target_semaphore(%arg20 : memref<!tpu.dma_semaphore, #tpu.memory_space<semaphore_mem>>)
      %mul3A_82 = arith.constant 2 : i32
      %mul3A_83 = arith.muli %mul3A_82, %scan3A_49 : i32
      %add3A_84 = arith.constant 1 : i32
      %add3A_85 = arith.addi %mul3A_83, %add3A_84 : i32
      %dma_wait3A_86 = arith.constant 0 : i32
      %dma_wait3A_87 = tpu.memref_slice %arg2[%dma_wait3A_86] : memref<1048576xi32, #tpu.memory_space<hbm>> -> memref<2048xi32, #tpu.memory_space<hbm>>
      %dma_wait3A_88 = arith.constant 0 : i32
      %dma_wait3A_89 = tpu.memref_slice %arg2[%dma_wait3A_88] : memref<1048576xi32, #tpu.memory_space<hbm>> -> memref<2048xi32, #tpu.memory_space<hbm>>
      tpu.wait_dma2 semaphore(%arg21 : memref<!tpu.dma_semaphore, #tpu.memory_space<semaphore_mem>>) src(%dma_wait3A_89 : memref<2048xi32, #tpu.memory_space<hbm>>) dst(%arg15 : memref<2048xi32, #tpu.memory_space<vmem>>)
      %dma_wait3A_90 = arith.constant 0 : i32
      %dma_wait3A_91 = tpu.memref_slice %arg3[%dma_wait3A_90] : memref<1048576xi32, #tpu.memory_space<hbm>> -> memref<2048xi32, #tpu.memory_space<hbm>>
      %dma_wait3A_92 = arith.constant 0 : i32
      %dma_wait3A_93 = tpu.memref_slice %arg3[%dma_wait3A_92] : memref<1048576xi32, #tpu.memory_space<hbm>> -> memref<2048xi32, #tpu.memory_space<hbm>>
      tpu.wait_dma2 semaphore(%arg21 : memref<!tpu.dma_semaphore, #tpu.memory_space<semaphore_mem>>) src(%dma_wait3A_93 : memref<2048xi32, #tpu.memory_space<hbm>>) dst(%arg17 : memref<2048xi32, #tpu.memory_space<vmem>>)
      %ge3A_94 = arith.constant 1 : i32
      %ge3A_95 = arith.cmpi sge, %scan3A_49, %ge3A_94 : i32
      %convert_element_type3A_96 = arith.extui %ge3A_95 : i1 to i32
      %cond3A_97 = arith.constant 0 : i32
      %cond3A_98 = arith.cmpi ne, %convert_element_type3A_96, %cond3A_97 : i32
      scf.if %cond3A_98 {
        %dma_wait3A_118 = arith.constant 0 : i32
        %dma_wait3A_119 = tpu.memref_slice %arg10[%dma_wait3A_118] : memref<1048576xbf16, #tpu.memory_space<hbm>> -> memref<2048xbf16, #tpu.memory_space<hbm>>
        %dma_wait3A_120 = arith.constant 0 : i32
        %dma_wait3A_121 = tpu.memref_slice %arg10[%dma_wait3A_120] : memref<1048576xbf16, #tpu.memory_space<hbm>> -> memref<2048xbf16, #tpu.memory_space<hbm>>
        tpu.wait_dma2 semaphore(%arg23 : memref<!tpu.dma_semaphore, #tpu.memory_space<semaphore_mem>>) src(%arg19 : memref<2048xbf16, #tpu.memory_space<vmem>>) dst(%dma_wait3A_121 : memref<2048xbf16, #tpu.memory_space<hbm>>)
      } else {
      }
      %parallel_loop3A_99 = arith.constant 0 : i32
      %parallel_loop3A_100 = arith.constant 64 : i32
      %parallel_loop3A_101 = arith.constant 1 : i32
      scf.for %parallel_loop3A_118 = %parallel_loop3A_99 to %parallel_loop3A_100 step %parallel_loop3A_101  : i32 {
        %parallel_loop3A_119 = arith.constant 32 : i32
        %parallel_loop3A_120 = arith.muli %parallel_loop3A_118, %parallel_loop3A_119 : i32
        %parallel_loop3A_121 = arith.index_cast %parallel_loop3A_120 : i32 to index
        %parallel_loop3A_122 = tpu.vector_load %arg15[%parallel_loop3A_121] {strides = array<i32>} : memref<2048xi32, #tpu.memory_space<vmem>>, vector<16xi32>,
        %parallel_loop3A_123 = arith.index_cast %parallel_loop3A_120 : i32 to index
        %parallel_loop3A_124 = tpu.vector_load %arg17[%parallel_loop3A_123] {strides = array<i32>} : memref<2048xi32, #tpu.memory_space<vmem>>, vector<16xi32>,
        %parallel_loop3A_125 = arith.constant 3 : i32
        %parallel_loop3A_126 = vector.broadcast %parallel_loop3A_125 : i32 to vector<16xi32>
        %parallel_loop3A_127 = arith.shrsi %parallel_loop3A_122, %parallel_loop3A_126 : vector<16xi32>
        %parallel_loop3A_128 = arith.constant 7 : i32
        %parallel_loop3A_129 = vector.broadcast %parallel_loop3A_128 : i32 to vector<16xi32>
        %parallel_loop3A_130 = arith.andi %parallel_loop3A_122, %parallel_loop3A_129 : vector<16xi32>
        %parallel_loop3A_131 = arith.constant 50000 : i32
        %parallel_loop3A_132 = vector.broadcast %parallel_loop3A_131 : i32 to vector<16xi32>
        %parallel_loop3A_133 = arith.cmpi sge, %parallel_loop3A_124, %parallel_loop3A_132 : vector<16xi32>
        %parallel_loop3A_134 = arith.constant 50000 : i32
        %parallel_loop3A_135 = arith.constant 0 : i32
        %parallel_loop3A_136 = vector.broadcast %parallel_loop3A_134 : i32 to vector<16xi32>
        %parallel_loop3A_137 = vector.broadcast %parallel_loop3A_135 : i32 to vector<16xi32>
        %parallel_loop3A_138 = arith.select %parallel_loop3A_133, %parallel_loop3A_136, %parallel_loop3A_137 : vector<16xi1>, vector<16xi32>
        %parallel_loop3A_139 = arith.subi %parallel_loop3A_124, %parallel_loop3A_138 : vector<16xi32>
        %parallel_loop3A_140 = tpu.vector_load_idx %arg13[%parallel_loop3A_139] : memref<50000xi32, #tpu.memory_space<vmem>>[vector<16xi32>], vector<16xi32>,
        %parallel_loop3A_141 = arith.constant -65536 : i32
        %parallel_loop3A_142 = vector.broadcast %parallel_loop3A_141 : i32 to vector<16xi32>
        %parallel_loop3A_143 = arith.andi %parallel_loop3A_140, %parallel_loop3A_142 : vector<16xi32>
        %parallel_loop3A_144 = arith.constant 16 : i32
        %parallel_loop3A_145 = vector.broadcast %parallel_loop3A_144 : i32 to vector<16xi32>
        %parallel_loop3A_146 = arith.shli %parallel_loop3A_140, %parallel_loop3A_145 : vector<16xi32>
        %parallel_loop3A_147 = arith.select %parallel_loop3A_133, %parallel_loop3A_143, %parallel_loop3A_146 : vector<16xi1>, vector<16xi32>
        %parallel_loop3A_148 = vector.bitcast %parallel_loop3A_147 : vector<16xi32> to vector<16xf32>
        %parallel_loop3A_149 = tpu.vector_load_idx %arg11[%parallel_loop3A_127] : memref<10000xf32, #tpu.memory_space<vmem>>[vector<16xi32>], vector<16xf32>,
        %parallel_loop3A_150 = arith.constant 10000 : i32
        %parallel_loop3A_151 = vector.broadcast %parallel_loop3A_150 : i32 to vector<16xi32>
        %parallel_loop3A_152 = arith.muli %parallel_loop3A_130, %parallel_loop3A_151 : vector<16xi32>
        %parallel_loop3A_153 = arith.addi %parallel_loop3A_127, %parallel_loop3A_152 : vector<16xi32>
        %parallel_loop3A_154 = arith.constant 20000 : i32
        %parallel_loop3A_155 = vector.broadcast %parallel_loop3A_154 : i32 to vector<16xi32>
        %parallel_loop3A_156 = arith.subi %parallel_loop3A_153, %parallel_loop3A_155 : vector<16xi32>
        %parallel_loop3A_157 = arith.constant 0 : i32
        %parallel_loop3A_158 = vector.broadcast %parallel_loop3A_157 : i32 to vector<16xi32>
        %parallel_loop3A_159 = arith.maxsi %parallel_loop3A_156, %parallel_loop3A_158 : vector<16xi32>
        %parallel_loop3A_160 = tpu.vector_load_idx %arg12[%parallel_loop3A_159] : memref<40000xf32, #tpu.memory_space<vmem>>[vector<16xi32>], vector<16xf32>,
        %parallel_loop3A_161 = arith.constant 10000 : i32
        %parallel_loop3A_162 = vector.broadcast %parallel_loop3A_161 : i32 to vector<16xi32>
        %parallel_loop3A_163 = arith.subi %parallel_loop3A_153, %parallel_loop3A_162 : vector<16xi32>
        %parallel_loop3A_164 = arith.constant 39999 : i32
        %parallel_loop3A_165 = vector.broadcast %parallel_loop3A_164 : i32 to vector<16xi32>
        %parallel_loop3A_166 = arith.minsi %parallel_loop3A_163, %parallel_loop3A_165 : vector<16xi32>
        %parallel_loop3A_167 = tpu.vector_load_idx %arg12[%parallel_loop3A_166] : memref<40000xf32, #tpu.memory_space<vmem>>[vector<16xi32>], vector<16xf32>,
        %parallel_loop3A_168 = arith.subf %parallel_loop3A_160, %parallel_loop3A_148 : vector<16xf32>
        %parallel_loop3A_169 = arith.mulf %parallel_loop3A_149, %parallel_loop3A_168 : vector<16xf32>
        %parallel_loop3A_170 = math.exp %parallel_loop3A_169 : vector<16xf32>
        %parallel_loop3A_171 = arith.constant 1.000000e+00 : f32
        %parallel_loop3A_172 = vector.broadcast %parallel_loop3A_171 : f32 to vector<16xf32>
        %parallel_loop3A_173 = arith.addf %parallel_loop3A_172, %parallel_loop3A_170 : vector<16xf32>
        %parallel_loop3A_174 = arith.constant 1.000000e+00 : f32
        %parallel_loop3A_175 = vector.broadcast %parallel_loop3A_174 : f32 to vector<16xf32>
        %parallel_loop3A_176 = arith.divf %parallel_loop3A_175, %parallel_loop3A_173 : vector<16xf32>
        %parallel_loop3A_177 = arith.subf %parallel_loop3A_167, %parallel_loop3A_148 : vector<16xf32>
        %parallel_loop3A_178 = arith.mulf %parallel_loop3A_149, %parallel_loop3A_177 : vector<16xf32>
        %parallel_loop3A_179 = math.exp %parallel_loop3A_178 : vector<16xf32>
        %parallel_loop3A_180 = arith.constant 1.000000e+00 : f32
        %parallel_loop3A_181 = vector.broadcast %parallel_loop3A_180 : f32 to vector<16xf32>
        %parallel_loop3A_182 = arith.addf %parallel_loop3A_181, %parallel_loop3A_179 : vector<16xf32>
        %parallel_loop3A_183 = arith.constant 1.000000e+00 : f32
        %parallel_loop3A_184 = vector.broadcast %parallel_loop3A_183 : f32 to vector<16xf32>
        %parallel_loop3A_185 = arith.divf %parallel_loop3A_184, %parallel_loop3A_182 : vector<16xf32>
        %parallel_loop3A_186 = arith.constant 1 : i32
        %parallel_loop3A_187 = vector.broadcast %parallel_loop3A_186 : i32 to vector<16xi32>
        %parallel_loop3A_188 = arith.cmpi eq, %parallel_loop3A_130, %parallel_loop3A_187 : vector<16xi32>
        %parallel_loop3A_189 = arith.constant 1.000000e+00 : f32
        %parallel_loop3A_190 = vector.broadcast %parallel_loop3A_189 : f32 to vector<16xf32>
        %parallel_loop3A_191 = arith.select %parallel_loop3A_188, %parallel_loop3A_190, %parallel_loop3A_176 : vector<16xi1>, vector<16xf32>
        %parallel_loop3A_192 = arith.constant 5 : i32
        %parallel_loop3A_193 = vector.broadcast %parallel_loop3A_192 : i32 to vector<16xi32>
        %parallel_loop3A_194 = arith.cmpi eq, %parallel_loop3A_130, %parallel_loop3A_193 : vector<16xi32>
        %parallel_loop3A_195 = arith.constant 0.000000e+00 : f32
        %parallel_loop3A_196 = vector.broadcast %parallel_loop3A_195 : f32 to vector<16xf32>
        %parallel_loop3A_197 = arith.select %parallel_loop3A_194, %parallel_loop3A_196, %parallel_loop3A_185 : vector<16xi1>, vector<16xf32>
        %parallel_loop3A_198 = arith.subf %parallel_loop3A_191, %parallel_loop3A_197 : vector<16xf32>
        %parallel_loop3A_199 = arith.constant 9.99999996E-13 : f32
        %parallel_loop3A_200 = arith.constant 1.000000e+00 : f32
        %parallel_loop3A_201 = vector.broadcast %parallel_loop3A_199 : f32 to vector<16xf32>
        %parallel_loop3A_202 = arith.maximumf %parallel_loop3A_201, %parallel_loop3A_198 : vector<16xf32>
        %parallel_loop3A_203 = vector.broadcast %parallel_loop3A_200 : f32 to vector<16xf32>
        %parallel_loop3A_204 = arith.minimumf %parallel_loop3A_203, %parallel_loop3A_202 : vector<16xf32>
        %parallel_loop3A_205 = arith.constant 32 : i32
        %parallel_loop3A_206 = arith.muli %parallel_loop3A_118, %parallel_loop3A_205 : i32
        %parallel_loop3A_207 = arith.constant 16 : i32
        %parallel_loop3A_208 = arith.addi %parallel_loop3A_206, %parallel_loop3A_207 : i32
        %parallel_loop3A_209 = arith.index_cast %parallel_loop3A_208 : i32 to index
        %parallel_loop3A_210 = tpu.vector_load %arg15[%parallel_loop3A_209] {strides = array<i32>} : memref<2048xi32, #tpu.memory_space<vmem>>, vector<16xi32>,
        %parallel_loop3A_211 = arith.index_cast %parallel_loop3A_208 : i32 to index
        %parallel_loop3A_212 = tpu.vector_load %arg17[%parallel_loop3A_211] {strides = array<i32>} : memref<2048xi32, #tpu.memory_space<vmem>>, vector<16xi32>,
        %parallel_loop3A_213 = arith.constant 3 : i32
        %parallel_loop3A_214 = vector.broadcast %parallel_loop3A_213 : i32 to vector<16xi32>
        %parallel_loop3A_215 = arith.shrsi %parallel_loop3A_210, %parallel_loop3A_214 : vector<16xi32>
        %parallel_loop3A_216 = arith.constant 7 : i32
        %parallel_loop3A_217 = vector.broadcast %parallel_loop3A_216 : i32 to vector<16xi32>
        %parallel_loop3A_218 = arith.andi %parallel_loop3A_210, %parallel_loop3A_217 : vector<16xi32>
        %parallel_loop3A_219 = arith.constant 50000 : i32
        %parallel_loop3A_220 = vector.broadcast %parallel_loop3A_219 : i32 to vector<16xi32>
        %parallel_loop3A_221 = arith.cmpi sge, %parallel_loop3A_212, %parallel_loop3A_220 : vector<16xi32>
        %parallel_loop3A_222 = arith.constant 50000 : i32
        %parallel_loop3A_223 = arith.constant 0 : i32
        %parallel_loop3A_224 = vector.broadcast %parallel_loop3A_222 : i32 to vector<16xi32>
        %parallel_loop3A_225 = vector.broadcast %parallel_loop3A_223 : i32 to vector<16xi32>
        %parallel_loop3A_226 = arith.select %parallel_loop3A_221, %parallel_loop3A_224, %parallel_loop3A_225 : vector<16xi1>, vector<16xi32>
        %parallel_loop3A_227 = arith.subi %parallel_loop3A_212, %parallel_loop3A_226 : vector<16xi32>
        %parallel_loop3A_228 = tpu.vector_load_idx %arg13[%parallel_loop3A_227] : memref<50000xi32, #tpu.memory_space<vmem>>[vector<16xi32>], vector<16xi32>,
        %parallel_loop3A_229 = arith.constant -65536 : i32
        %parallel_loop3A_230 = vector.broadcast %parallel_loop3A_229 : i32 to vector<16xi32>
        %parallel_loop3A_231 = arith.andi %parallel_loop3A_228, %parallel_loop3A_230 : vector<16xi32>
        %parallel_loop3A_232 = arith.constant 16 : i32
        %parallel_loop3A_233 = vector.broadcast %parallel_loop3A_232 : i32 to vector<16xi32>
        %parallel_loop3A_234 = arith.shli %parallel_loop3A_228, %parallel_loop3A_233 : vector<16xi32>
        %parallel_loop3A_235 = arith.select %parallel_loop3A_221, %parallel_loop3A_231, %parallel_loop3A_234 : vector<16xi1>, vector<16xi32>
        %parallel_loop3A_236 = vector.bitcast %parallel_loop3A_235 : vector<16xi32> to vector<16xf32>
        %parallel_loop3A_237 = tpu.vector_load_idx %arg11[%parallel_loop3A_215] : memref<10000xf32, #tpu.memory_space<vmem>>[vector<16xi32>], vector<16xf32>,
        %parallel_loop3A_238 = arith.constant 10000 : i32
        %parallel_loop3A_239 = vector.broadcast %parallel_loop3A_238 : i32 to vector<16xi32>
        %parallel_loop3A_240 = arith.muli %parallel_loop3A_218, %parallel_loop3A_239 : vector<16xi32>
        %parallel_loop3A_241 = arith.addi %parallel_loop3A_215, %parallel_loop3A_240 : vector<16xi32>
        %parallel_loop3A_242 = arith.constant 20000 : i32
        %parallel_loop3A_243 = vector.broadcast %parallel_loop3A_242 : i32 to vector<16xi32>
        %parallel_loop3A_244 = arith.subi %parallel_loop3A_241, %parallel_loop3A_243 : vector<16xi32>
        %parallel_loop3A_245 = arith.constant 0 : i32
        %parallel_loop3A_246 = vector.broadcast %parallel_loop3A_245 : i32 to vector<16xi32>
        %parallel_loop3A_247 = arith.maxsi %parallel_loop3A_244, %parallel_loop3A_246 : vector<16xi32>
        %parallel_loop3A_248 = tpu.vector_load_idx %arg12[%parallel_loop3A_247] : memref<40000xf32, #tpu.memory_space<vmem>>[vector<16xi32>], vector<16xf32>,
        %parallel_loop3A_249 = arith.constant 10000 : i32
        %parallel_loop3A_250 = vector.broadcast %parallel_loop3A_249 : i32 to vector<16xi32>
        %parallel_loop3A_251 = arith.subi %parallel_loop3A_241, %parallel_loop3A_250 : vector<16xi32>
        %parallel_loop3A_252 = arith.constant 39999 : i32
        %parallel_loop3A_253 = vector.broadcast %parallel_loop3A_252 : i32 to vector<16xi32>
        %parallel_loop3A_254 = arith.minsi %parallel_loop3A_251, %parallel_loop3A_253 : vector<16xi32>
        %parallel_loop3A_255 = tpu.vector_load_idx %arg12[%parallel_loop3A_254] : memref<40000xf32, #tpu.memory_space<vmem>>[vector<16xi32>], vector<16xf32>,
        %parallel_loop3A_256 = arith.subf %parallel_loop3A_248, %parallel_loop3A_236 : vector<16xf32>
        %parallel_loop3A_257 = arith.mulf %parallel_loop3A_237, %parallel_loop3A_256 : vector<16xf32>
        %parallel_loop3A_258 = math.exp %parallel_loop3A_257 : vector<16xf32>
        %parallel_loop3A_259 = arith.constant 1.000000e+00 : f32
        %parallel_loop3A_260 = vector.broadcast %parallel_loop3A_259 : f32 to vector<16xf32>
        %parallel_loop3A_261 = arith.addf %parallel_loop3A_260, %parallel_loop3A_258 : vector<16xf32>
        %parallel_loop3A_262 = arith.constant 1.000000e+00 : f32
        %parallel_loop3A_263 = vector.broadcast %parallel_loop3A_262 : f32 to vector<16xf32>
        %parallel_loop3A_264 = arith.divf %parallel_loop3A_263, %parallel_loop3A_261 : vector<16xf32>
        %parallel_loop3A_265 = arith.subf %parallel_loop3A_255, %parallel_loop3A_236 : vector<16xf32>
        %parallel_loop3A_266 = arith.mulf %parallel_loop3A_237, %parallel_loop3A_265 : vector<16xf32>
        %parallel_loop3A_267 = math.exp %parallel_loop3A_266 : vector<16xf32>
        %parallel_loop3A_268 = arith.constant 1.000000e+00 : f32
        %parallel_loop3A_269 = vector.broadcast %parallel_loop3A_268 : f32 to vector<16xf32>
        %parallel_loop3A_270 = arith.addf %parallel_loop3A_269, %parallel_loop3A_267 : vector<16xf32>
        %parallel_loop3A_271 = arith.constant 1.000000e+00 : f32
        %parallel_loop3A_272 = vector.broadcast %parallel_loop3A_271 : f32 to vector<16xf32>
        %parallel_loop3A_273 = arith.divf %parallel_loop3A_272, %parallel_loop3A_270 : vector<16xf32>
        %parallel_loop3A_274 = arith.constant 1 : i32
        %parallel_loop3A_275 = vector.broadcast %parallel_loop3A_274 : i32 to vector<16xi32>
        %parallel_loop3A_276 = arith.cmpi eq, %parallel_loop3A_218, %parallel_loop3A_275 : vector<16xi32>
        %parallel_loop3A_277 = arith.constant 1.000000e+00 : f32
        %parallel_loop3A_278 = vector.broadcast %parallel_loop3A_277 : f32 to vector<16xf32>
        %parallel_loop3A_279 = arith.select %parallel_loop3A_276, %parallel_loop3A_278, %parallel_loop3A_264 : vector<16xi1>, vector<16xf32>
        %parallel_loop3A_280 = arith.constant 5 : i32
        %parallel_loop3A_281 = vector.broadcast %parallel_loop3A_280 : i32 to vector<16xi32>
        %parallel_loop3A_282 = arith.cmpi eq, %parallel_loop3A_218, %parallel_loop3A_281 : vector<16xi32>
        %parallel_loop3A_283 = arith.constant 0.000000e+00 : f32
        %parallel_loop3A_284 = vector.broadcast %parallel_loop3A_283 : f32 to vector<16xf32>
        %parallel_loop3A_285 = arith.select %parallel_loop3A_282, %parallel_loop3A_284, %parallel_loop3A_273 : vector<16xi1>, vector<16xf32>
        %parallel_loop3A_286 = arith.subf %parallel_loop3A_279, %parallel_loop3A_285 : vector<16xf32>
        %parallel_loop3A_287 = arith.constant 9.99999996E-13 : f32
        %parallel_loop3A_288 = arith.constant 1.000000e+00 : f32
        %parallel_loop3A_289 = vector.broadcast %parallel_loop3A_287 : f32 to vector<16xf32>
        %parallel_loop3A_290 = arith.maximumf %parallel_loop3A_289, %parallel_loop3A_286 : vector<16xf32>
        %parallel_loop3A_291 = vector.broadcast %parallel_loop3A_288 : f32 to vector<16xf32>
        %parallel_loop3A_292 = arith.minimumf %parallel_loop3A_291, %parallel_loop3A_290 : vector<16xf32>
        %parallel_loop3A_293 = tpu.pack_subelements %parallel_loop3A_204, %parallel_loop3A_292 {pack_format = #tpu.pack_format<interleaved>, positions = array<i32: 0, 1>} : vector<16xf32>, vector<16xf32> -> vector<32xbf16>
        %parallel_loop3A_294 = arith.constant 32 : i32
        %parallel_loop3A_295 = arith.muli %parallel_loop3A_118, %parallel_loop3A_294 : i32
        %parallel_loop3A_296 = arith.index_cast %parallel_loop3A_295 : i32 to index
        %parallel_loop3A_297 = tpu.vector_load %arg19[%parallel_loop3A_296] {strides = array<i32>} : memref<2048xbf16, #tpu.memory_space<vmem>>, vector<32xbf16>,
        tpu.vector_store %arg19[%parallel_loop3A_296], %parallel_loop3A_293 {strides = array<i32>} : memref<2048xbf16, #tpu.memory_space<vmem>>, vector<32xbf16>,
      } {sc.loop_unroll_factor = 2 : i64, sc.parallel_access}
      %mul3A_102 = arith.constant 2048 : i32
      %mul3A_103 = arith.muli %add3A_85, %mul3A_102 : i32
      %add3A_104 = arith.addi %mul3A_2, %mul3A_103 : i32
      %dma_start3A_105 = tpu.memref_slice %arg10[%add3A_104] : memref<1048576xbf16, #tpu.memory_space<hbm>> -> memref<2048xbf16, #tpu.memory_space<hbm>>
      %dma_start3A_106 = tpu.memref_slice %arg10[%add3A_104] : memref<1048576xbf16, #tpu.memory_space<hbm>> -> memref<2048xbf16, #tpu.memory_space<hbm>>
      tpu.enqueue_dma source(%arg19 : memref<2048xbf16, #tpu.memory_space<vmem>>) target(%dma_start3A_106 : memref<2048xbf16, #tpu.memory_space<hbm>>) target_semaphore(%arg23 : memref<!tpu.dma_semaphore, #tpu.memory_space<semaphore_mem>>)
      %add3A_107 = arith.constant 2 : i32
      %add3A_108 = arith.addi %add3A_85, %add3A_107 : i32
      %rem3A_109 = arith.constant 16 : i32
      %rem3A_110 = arith.remsi %add3A_108, %rem3A_109 : i32
      %mul3A_111 = arith.constant 2048 : i32
      %mul3A_112 = arith.muli %rem3A_110, %mul3A_111 : i32
      %add3A_113 = arith.addi %mul3A_2, %mul3A_112 : i32
      %dma_start3A_114 = tpu.memref_slice %arg2[%add3A_113] : memref<1048576xi32, #tpu.memory_space<hbm>> -> memref<2048xi32, #tpu.memory_space<hbm>>
      %dma_start3A_115 = tpu.memref_slice %arg2[%add3A_113] : memref<1048576xi32, #tpu.memory_space<hbm>> -> memref<2048xi32, #tpu.memory_space<hbm>>
      tpu.enqueue_dma source(%dma_start3A_115 : memref<2048xi32, #tpu.memory_space<hbm>>) target(%arg15 : memref<2048xi32, #tpu.memory_space<vmem>>) target_semaphore(%arg21 : memref<!tpu.dma_semaphore, #tpu.memory_space<semaphore_mem>>)
      %dma_start3A_116 = tpu.memref_slice %arg3[%add3A_113] : memref<1048576xi32, #tpu.memory_space<hbm>> -> memref<2048xi32, #tpu.memory_space<hbm>>
      %dma_start3A_117 = tpu.memref_slice %arg3[%add3A_113] : memref<1048576xi32, #tpu.memory_space<hbm>> -> memref<2048xi32, #tpu.memory_space<hbm>>
      tpu.enqueue_dma source(%dma_start3A_117 : memref<2048xi32, #tpu.memory_space<hbm>>) target(%arg17 : memref<2048xi32, #tpu.memory_space<vmem>>) target_semaphore(%arg21 : memref<!tpu.dma_semaphore, #tpu.memory_space<semaphore_mem>>)
    }
    %scan3A_25 = arith.constant 8 : i32
    %dma_wait3A = arith.constant 0 : i32
    %dma_wait3A_26 = tpu.memref_slice %arg10[%dma_wait3A] : memref<1048576xbf16, #tpu.memory_space<hbm>> -> memref<2048xbf16, #tpu.memory_space<hbm>>
    %dma_wait3A_27 = arith.constant 0 : i32
    %dma_wait3A_28 = tpu.memref_slice %arg10[%dma_wait3A_27] : memref<1048576xbf16, #tpu.memory_space<hbm>> -> memref<2048xbf16, #tpu.memory_space<hbm>>
    tpu.wait_dma2 semaphore(%arg22 : memref<!tpu.dma_semaphore, #tpu.memory_space<semaphore_mem>>) src(%arg18 : memref<2048xbf16, #tpu.memory_space<vmem>>) dst(%dma_wait3A_28 : memref<2048xbf16, #tpu.memory_space<hbm>>)
    %dma_wait3A_29 = arith.constant 0 : i32
    %dma_wait3A_30 = tpu.memref_slice %arg2[%dma_wait3A_29] : memref<1048576xi32, #tpu.memory_space<hbm>> -> memref<2048xi32, #tpu.memory_space<hbm>>
    %dma_wait3A_31 = arith.constant 0 : i32
    %dma_wait3A_32 = tpu.memref_slice %arg2[%dma_wait3A_31] : memref<1048576xi32, #tpu.memory_space<hbm>> -> memref<2048xi32, #tpu.memory_space<hbm>>
    tpu.wait_dma2 semaphore(%arg20 : memref<!tpu.dma_semaphore, #tpu.memory_space<semaphore_mem>>) src(%dma_wait3A_32 : memref<2048xi32, #tpu.memory_space<hbm>>) dst(%arg14 : memref<2048xi32, #tpu.memory_space<vmem>>)
    %dma_wait3A_33 = arith.constant 0 : i32
    %dma_wait3A_34 = tpu.memref_slice %arg3[%dma_wait3A_33] : memref<1048576xi32, #tpu.memory_space<hbm>> -> memref<2048xi32, #tpu.memory_space<hbm>>
    %dma_wait3A_35 = arith.constant 0 : i32
    %dma_wait3A_36 = tpu.memref_slice %arg3[%dma_wait3A_35] : memref<1048576xi32, #tpu.memory_space<hbm>> -> memref<2048xi32, #tpu.memory_space<hbm>>
    tpu.wait_dma2 semaphore(%arg20 : memref<!tpu.dma_semaphore, #tpu.memory_space<semaphore_mem>>) src(%dma_wait3A_36 : memref<2048xi32, #tpu.memory_space<hbm>>) dst(%arg16 : memref<2048xi32, #tpu.memory_space<vmem>>)
    %dma_wait3A_37 = arith.constant 0 : i32
    %dma_wait3A_38 = tpu.memref_slice %arg10[%dma_wait3A_37] : memref<1048576xbf16, #tpu.memory_space<hbm>> -> memref<2048xbf16, #tpu.memory_space<hbm>>
    %dma_wait3A_39 = arith.constant 0 : i32
    %dma_wait3A_40 = tpu.memref_slice %arg10[%dma_wait3A_39] : memref<1048576xbf16, #tpu.memory_space<hbm>> -> memref<2048xbf16, #tpu.memory_space<hbm>>
    tpu.wait_dma2 semaphore(%arg23 : memref<!tpu.dma_semaphore, #tpu.memory_space<semaphore_mem>>) src(%arg19 : memref<2048xbf16, #tpu.memory_space<vmem>>) dst(%dma_wait3A_40 : memref<2048xbf16, #tpu.memory_space<hbm>>)
    %dma_wait3A_41 = arith.constant 0 : i32
    %dma_wait3A_42 = tpu.memref_slice %arg2[%dma_wait3A_41] : memref<1048576xi32, #tpu.memory_space<hbm>> -> memref<2048xi32, #tpu.memory_space<hbm>>
    %dma_wait3A_43 = arith.constant 0 : i32
    %dma_wait3A_44 = tpu.memref_slice %arg2[%dma_wait3A_43] : memref<1048576xi32, #tpu.memory_space<hbm>> -> memref<2048xi32, #tpu.memory_space<hbm>>
    tpu.wait_dma2 semaphore(%arg21 : memref<!tpu.dma_semaphore, #tpu.memory_space<semaphore_mem>>) src(%dma_wait3A_44 : memref<2048xi32, #tpu.memory_space<hbm>>) dst(%arg15 : memref<2048xi32, #tpu.memory_space<vmem>>)
    %dma_wait3A_45 = arith.constant 0 : i32
    %dma_wait3A_46 = tpu.memref_slice %arg3[%dma_wait3A_45] : memref<1048576xi32, #tpu.memory_space<hbm>> -> memref<2048xi32, #tpu.memory_space<hbm>>
    %dma_wait3A_47 = arith.constant 0 : i32
    %dma_wait3A_48 = tpu.memref_slice %arg3[%dma_wait3A_47] : memref<1048576xi32, #tpu.memory_space<hbm>> -> memref<2048xi32, #tpu.memory_space<hbm>>
    tpu.wait_dma2 semaphore(%arg21 : memref<!tpu.dma_semaphore, #tpu.memory_space<semaphore_mem>>) src(%dma_wait3A_48 : memref<2048xi32, #tpu.memory_space<hbm>>) dst(%arg17 : memref<2048xi32, #tpu.memory_space<vmem>>)
    return
  }
}

module attributes {stable_mosaic.version = 14 : i64} {
  func.func @_prep_body(%arg0: memref<10000xf32, #tpu.memory_space<vmem>>, %arg1: memref<10000xf32, #tpu.memory_space<vmem>>, %arg2: memref<10000xf32, #tpu.memory_space<vmem>>, %arg3: memref<10000xf32, #tpu.memory_space<vmem>>, %arg4: memref<10000xf32, #tpu.memory_space<vmem>>, %arg5: memref<100000xf32, #tpu.memory_space<vmem>>, %arg6: memref<10000xf32, #tpu.memory_space<vmem>>, %arg7: memref<10000xf32, #tpu.memory_space<vmem>>, %arg8: memref<10000xf32, #tpu.memory_space<vmem>>, %arg9: memref<10000xf32, #tpu.memory_space<vmem>>, %arg10: memref<10000xf32, #tpu.memory_space<vmem>>, %arg11: memref<50000xi32, #tpu.memory_space<vmem>>, %arg12: memref<1x1xf32, #tpu.memory_space<smem>>) attributes {dimension_semantics = [], scalar_prefetch = 0 : i64, scratch_operands = 0 : i64, tpu.core_type = #tpu.core_type<tc>} {
    %get3A = arith.constant 0 : index
    %get3A_0 = vector.load %arg0[%get3A] : memref<10000xf32, #tpu.memory_space<vmem>>, vector<10000xf32>
    %max3A = arith.constant 0.000000e+00 : f32
    %max3A_1 = vector.broadcast %max3A : f32 to vector<10000xf32>
    %max3A_2 = arith.maximumf %get3A_0, %max3A_1 : vector<10000xf32>
    %abs3A = math.absf %get3A_0 : vector<10000xf32>
    %neg3A = arith.constant 0.000000e+00 : f32
    %neg3A_3 = vector.broadcast %neg3A : f32 to vector<10000xf32>
    %neg3A_4 = arith.subf %neg3A_3, %abs3A : vector<10000xf32>
    %exp3A = math.exp %neg3A_4 : vector<10000xf32>
    %log1p3A = math.log1p %exp3A : vector<10000xf32>
    %add3A = arith.addf %max3A_2, %log1p3A : vector<10000xf32>
    %get3A_5 = arith.constant 0 : index
    %get3A_6 = vector.load %arg1[%get3A_5] : memref<10000xf32, #tpu.memory_space<vmem>>, vector<10000xf32>
    %get3A_7 = arith.constant 0 : index
    %get3A_8 = vector.load %arg2[%get3A_7] : memref<10000xf32, #tpu.memory_space<vmem>>, vector<10000xf32>
    %max3A_9 = arith.constant 0.000000e+00 : f32
    %max3A_10 = vector.broadcast %max3A_9 : f32 to vector<10000xf32>
    %max3A_11 = arith.maximumf %get3A_8, %max3A_10 : vector<10000xf32>
    %abs3A_12 = math.absf %get3A_8 : vector<10000xf32>
    %neg3A_13 = arith.constant 0.000000e+00 : f32
    %neg3A_14 = vector.broadcast %neg3A_13 : f32 to vector<10000xf32>
    %neg3A_15 = arith.subf %neg3A_14, %abs3A_12 : vector<10000xf32>
    %exp3A_16 = math.exp %neg3A_15 : vector<10000xf32>
    %log1p3A_17 = math.log1p %exp3A_16 : vector<10000xf32>
    %add3A_18 = arith.addf %max3A_11, %log1p3A_17 : vector<10000xf32>
    %add3A_19 = arith.addf %get3A_6, %add3A_18 : vector<10000xf32>
    %get3A_20 = arith.constant 0 : index
    %get3A_21 = vector.load %arg3[%get3A_20] : memref<10000xf32, #tpu.memory_space<vmem>>, vector<10000xf32>
    %max3A_22 = arith.constant 0.000000e+00 : f32
    %max3A_23 = vector.broadcast %max3A_22 : f32 to vector<10000xf32>
    %max3A_24 = arith.maximumf %get3A_21, %max3A_23 : vector<10000xf32>
    %abs3A_25 = math.absf %get3A_21 : vector<10000xf32>
    %neg3A_26 = arith.constant 0.000000e+00 : f32
    %neg3A_27 = vector.broadcast %neg3A_26 : f32 to vector<10000xf32>
    %neg3A_28 = arith.subf %neg3A_27, %abs3A_25 : vector<10000xf32>
    %exp3A_29 = math.exp %neg3A_28 : vector<10000xf32>
    %log1p3A_30 = math.log1p %exp3A_29 : vector<10000xf32>
    %add3A_31 = arith.addf %max3A_24, %log1p3A_30 : vector<10000xf32>
    %add3A_32 = arith.addf %add3A_19, %add3A_31 : vector<10000xf32>
    %get3A_33 = arith.constant 0 : index
    %get3A_34 = vector.load %arg4[%get3A_33] : memref<10000xf32, #tpu.memory_space<vmem>>, vector<10000xf32>
    %max3A_35 = arith.constant 0.000000e+00 : f32
    %max3A_36 = vector.broadcast %max3A_35 : f32 to vector<10000xf32>
    %max3A_37 = arith.maximumf %get3A_34, %max3A_36 : vector<10000xf32>
    %abs3A_38 = math.absf %get3A_34 : vector<10000xf32>
    %neg3A_39 = arith.constant 0.000000e+00 : f32
    %neg3A_40 = vector.broadcast %neg3A_39 : f32 to vector<10000xf32>
    %neg3A_41 = arith.subf %neg3A_40, %abs3A_38 : vector<10000xf32>
    %exp3A_42 = math.exp %neg3A_41 : vector<10000xf32>
    %log1p3A_43 = math.log1p %exp3A_42 : vector<10000xf32>
    %add3A_44 = arith.addf %max3A_37, %log1p3A_43 : vector<10000xf32>
    %add3A_45 = arith.addf %add3A_32, %add3A_44 : vector<10000xf32>
    %swap3A = arith.constant 0 : index
    %swap3A_46 = vector.load %arg6[%swap3A] : memref<10000xf32, #tpu.memory_space<vmem>>, vector<10000xf32>
    tpu.vector_store %arg6[%swap3A], %add3A {strides = array<i32>} : memref<10000xf32, #tpu.memory_space<vmem>>, vector<10000xf32>,
    %swap3A_47 = arith.constant 0 : index
    %swap3A_48 = vector.load %arg7[%swap3A_47] : memref<10000xf32, #tpu.memory_space<vmem>>, vector<10000xf32>
    tpu.vector_store %arg7[%swap3A_47], %get3A_6 {strides = array<i32>} : memref<10000xf32, #tpu.memory_space<vmem>>, vector<10000xf32>,
    %swap3A_49 = arith.constant 0 : index
    %swap3A_50 = vector.load %arg8[%swap3A_49] : memref<10000xf32, #tpu.memory_space<vmem>>, vector<10000xf32>
    tpu.vector_store %arg8[%swap3A_49], %add3A_19 {strides = array<i32>} : memref<10000xf32, #tpu.memory_space<vmem>>, vector<10000xf32>,
    %swap3A_51 = arith.constant 0 : index
    %swap3A_52 = vector.load %arg9[%swap3A_51] : memref<10000xf32, #tpu.memory_space<vmem>>, vector<10000xf32>
    tpu.vector_store %arg9[%swap3A_51], %add3A_32 {strides = array<i32>} : memref<10000xf32, #tpu.memory_space<vmem>>, vector<10000xf32>,
    %swap3A_53 = arith.constant 0 : index
    %swap3A_54 = vector.load %arg10[%swap3A_53] : memref<10000xf32, #tpu.memory_space<vmem>>, vector<10000xf32>
    tpu.vector_store %arg10[%swap3A_53], %add3A_45 {strides = array<i32>} : memref<10000xf32, #tpu.memory_space<vmem>>, vector<10000xf32>,
    %get3A_55 = arith.constant 0 : index
    %get3A_56 = vector.load %arg5[%get3A_55] : memref<100000xf32, #tpu.memory_space<vmem>>, vector<100000xf32>
    %slice3A = vector.extract_strided_slice %get3A_56 {offsets = [0], sizes = [50000], strides = [1]} : vector<100000xf32> to vector<50000xf32>
    %convert_element_type3A = arith.truncf %slice3A : vector<50000xf32> to vector<50000xbf16>
    %bitcast_convert_type3A = tpu.bitcast %convert_element_type3A : vector<50000xbf16> -> vector<50000xi16>
    %convert_element_type3A_57 = arith.extui %bitcast_convert_type3A : vector<50000xi16> to vector<50000xi32>
    %slice3A_58 = vector.extract_strided_slice %get3A_56 {offsets = [50000], sizes = [50000], strides = [1]} : vector<100000xf32> to vector<50000xf32>
    %convert_element_type3A_59 = arith.truncf %slice3A_58 : vector<50000xf32> to vector<50000xbf16>
    %bitcast_convert_type3A_60 = tpu.bitcast %convert_element_type3A_59 : vector<50000xbf16> -> vector<50000xi16>
    %convert_element_type3A_61 = arith.extui %bitcast_convert_type3A_60 : vector<50000xi16> to vector<50000xi32>
    %shift_left3A = arith.constant 16 : i32
    %shift_left3A_62 = vector.broadcast %shift_left3A : i32 to vector<50000xi32>
    %shift_left3A_63 = arith.shli %convert_element_type3A_61, %shift_left3A_62 : vector<50000xi32>
    %or3A = arith.ori %convert_element_type3A_57, %shift_left3A_63 : vector<50000xi32>
    %swap3A_64 = arith.constant 0 : index
    %swap3A_65 = vector.load %arg11[%swap3A_64] : memref<50000xi32, #tpu.memory_space<vmem>>, vector<50000xi32>
    tpu.vector_store %arg11[%swap3A_64], %or3A {strides = array<i32>} : memref<50000xi32, #tpu.memory_space<vmem>>, vector<50000xi32>,
    %mul3A = arith.mulf %add3A, %add3A : vector<10000xf32>
    %reduce_sum3A = vector.shape_cast %mul3A : vector<10000xf32> to vector<1x10000xf32>
    %reduce_sum3A_66 = arith.constant dense<0.000000e+00> : vector<1xf32>
    %reduce_sum3A_67 = vector.multi_reduction <add>, %reduce_sum3A, %reduce_sum3A_66 [1] : vector<1x10000xf32> to vector<1xf32>
    %reduce_sum3A_68 = vector.shape_cast %reduce_sum3A_67 : vector<1xf32> to vector<1x1xf32>
    %reduce_sum3A_69 = vector.extract %reduce_sum3A_68[0, 0] : f32 from vector<1x1xf32>
    %mul3A_70 = arith.mulf %get3A_6, %get3A_6 : vector<10000xf32>
    %reduce_sum3A_71 = vector.shape_cast %mul3A_70 : vector<10000xf32> to vector<1x10000xf32>
    %reduce_sum3A_72 = arith.constant dense<0.000000e+00> : vector<1xf32>
    %reduce_sum3A_73 = vector.multi_reduction <add>, %reduce_sum3A_71, %reduce_sum3A_72 [1] : vector<1x10000xf32> to vector<1xf32>
    %reduce_sum3A_74 = vector.shape_cast %reduce_sum3A_73 : vector<1xf32> to vector<1x1xf32>
    %reduce_sum3A_75 = vector.extract %reduce_sum3A_74[0, 0] : f32 from vector<1x1xf32>
    %add3A_76 = arith.addf %reduce_sum3A_69, %reduce_sum3A_75 : f32
    %mul3A_77 = arith.mulf %add3A_19, %add3A_19 : vector<10000xf32>
    %reduce_sum3A_78 = vector.shape_cast %mul3A_77 : vector<10000xf32> to vector<1x10000xf32>
    %reduce_sum3A_79 = arith.constant dense<0.000000e+00> : vector<1xf32>
    %reduce_sum3A_80 = vector.multi_reduction <add>, %reduce_sum3A_78, %reduce_sum3A_79 [1] : vector<1x10000xf32> to vector<1xf32>
    %reduce_sum3A_81 = vector.shape_cast %reduce_sum3A_80 : vector<1xf32> to vector<1x1xf32>
    %reduce_sum3A_82 = vector.extract %reduce_sum3A_81[0, 0] : f32 from vector<1x1xf32>
    %add3A_83 = arith.addf %add3A_76, %reduce_sum3A_82 : f32
    %mul3A_84 = arith.mulf %add3A_32, %add3A_32 : vector<10000xf32>
    %reduce_sum3A_85 = vector.shape_cast %mul3A_84 : vector<10000xf32> to vector<1x10000xf32>
    %reduce_sum3A_86 = arith.constant dense<0.000000e+00> : vector<1xf32>
    %reduce_sum3A_87 = vector.multi_reduction <add>, %reduce_sum3A_85, %reduce_sum3A_86 [1] : vector<1x10000xf32> to vector<1xf32>
    %reduce_sum3A_88 = vector.shape_cast %reduce_sum3A_87 : vector<1xf32> to vector<1x1xf32>
    %reduce_sum3A_89 = vector.extract %reduce_sum3A_88[0, 0] : f32 from vector<1x1xf32>
    %add3A_90 = arith.addf %add3A_83, %reduce_sum3A_89 : f32
    %mul3A_91 = arith.mulf %add3A_45, %add3A_45 : vector<10000xf32>
    %reduce_sum3A_92 = vector.shape_cast %mul3A_91 : vector<10000xf32> to vector<1x10000xf32>
    %reduce_sum3A_93 = arith.constant dense<0.000000e+00> : vector<1xf32>
    %reduce_sum3A_94 = vector.multi_reduction <add>, %reduce_sum3A_92, %reduce_sum3A_93 [1] : vector<1x10000xf32> to vector<1xf32>
    %reduce_sum3A_95 = vector.shape_cast %reduce_sum3A_94 : vector<1xf32> to vector<1x1xf32>
    %reduce_sum3A_96 = vector.extract %reduce_sum3A_95[0, 0] : f32 from vector<1x1xf32>
    %add3A_97 = arith.addf %add3A_90, %reduce_sum3A_96 : f32
    %mul3A_98 = arith.mulf %get3A_56, %get3A_56 : vector<100000xf32>
    %reduce_sum3A_99 = vector.shape_cast %mul3A_98 : vector<100000xf32> to vector<1x100000xf32>
    %reduce_sum3A_100 = arith.constant dense<0.000000e+00> : vector<1xf32>
    %reduce_sum3A_101 = vector.multi_reduction <add>, %reduce_sum3A_99, %reduce_sum3A_100 [1] : vector<1x100000xf32> to vector<1xf32>
    %reduce_sum3A_102 = vector.shape_cast %reduce_sum3A_101 : vector<1xf32> to vector<1x1xf32>
    %reduce_sum3A_103 = vector.extract %reduce_sum3A_102[0, 0] : f32 from vector<1x1xf32>
    %add3A_104 = arith.addf %add3A_97, %reduce_sum3A_103 : f32
    %mul3A_105 = arith.constant 5.000000e-01 : f32
    %mul3A_106 = arith.mulf %mul3A_105, %add3A_104 : f32
    %sub3A = arith.constant -137840.781 : f32
    %sub3A_107 = arith.subf %sub3A, %mul3A_106 : f32
    %swap3A_108 = arith.constant 0 : index
    %swap3A_109 = arith.constant 0 : index
    %swap3A_110 = memref.load %arg12[%swap3A_108, %swap3A_109] : memref<1x1xf32, #tpu.memory_space<smem>>
    memref.store %sub3A_107, %arg12[%swap3A_108, %swap3A_109] : memref<1x1xf32, #tpu.memory_space<smem>>
    return
  }
}

module attributes {stable_mosaic.version = 14 : i64} {
  func.func @_reduce_body(%arg0: i32, %arg1: memref<512x128xbf16, #tpu.memory_space<vmem>>, %arg2: memref<1x1xf32, #tpu.memory_space<smem>>, %arg3: memref<1x1xf32, #tpu.memory_space<smem>>, %arg4: memref<1xf32, #tpu.memory_space<smem>>) attributes {dimension_semantics = [#tpu.dimension_semantics<arbitrary>], iteration_bounds = array<i64: 16>, scalar_prefetch = 0 : i64, scratch_operands = 1 : i64, tpu.core_type = #tpu.core_type<tc>, window_params = [{transform_indices = @transform_0, window_bounds = array<i64: 512, 128>}, {transform_indices = @transform_1, window_bounds = array<i64: 1, 1>}, {transform_indices = @transform_2, window_bounds = array<i64: 1, 1>}]} {
    %eq3A = arith.constant 0 : i32
    %eq3A_0 = arith.cmpi eq, %arg0, %eq3A : i32
    %convert_element_type3A = arith.extui %eq3A_0 : i1 to i32
    %cond3A = arith.constant 0 : i32
    %cond3A_1 = arith.cmpi ne, %convert_element_type3A, %cond3A : i32
    scf.if %cond3A_1 {
      %swap3A_17 = arith.constant 0.000000e+00 : f32
      %swap3A_18 = arith.constant 0 : index
      %swap3A_19 = memref.load %arg4[%swap3A_18] : memref<1xf32, #tpu.memory_space<smem>>
      memref.store %swap3A_17, %arg4[%swap3A_18] : memref<1xf32, #tpu.memory_space<smem>>
    } else {
    }
    %get3A = arith.constant 0 : index
    %get3A_2 = memref.load %arg4[%get3A] : memref<1xf32, #tpu.memory_space<smem>>
    %get3A_3 = arith.constant 0 : index
    %get3A_4 = arith.constant 0 : index
    %get3A_5 = vector.load %arg1[%get3A_3, %get3A_4] : memref<512x128xbf16, #tpu.memory_space<vmem>>, vector<512x128xbf16>
    %convert_element_type3A_6 = arith.extf %get3A_5 : vector<512x128xbf16> to vector<512x128xf32>
    %log3A = math.log %convert_element_type3A_6 : vector<512x128xf32>
    %reduce_sum3A = vector.shape_cast %log3A : vector<512x128xf32> to vector<1x512x128xf32>
    %reduce_sum3A_7 = arith.constant dense<0.000000e+00> : vector<1xf32>
    %reduce_sum3A_8 = vector.multi_reduction <add>, %reduce_sum3A, %reduce_sum3A_7 [1, 2] : vector<1x512x128xf32> to vector<1xf32>
    %reduce_sum3A_9 = vector.shape_cast %reduce_sum3A_8 : vector<1xf32> to vector<1x1x1xf32>
    %reduce_sum3A_10 = vector.extract %reduce_sum3A_9[0, 0, 0] : f32 from vector<1x1x1xf32>
    %add3A = arith.addf %get3A_2, %reduce_sum3A_10 : f32
    %swap3A = arith.constant 0 : index
    %swap3A_11 = memref.load %arg4[%swap3A] : memref<1xf32, #tpu.memory_space<smem>>
    memref.store %add3A, %arg4[%swap3A] : memref<1xf32, #tpu.memory_space<smem>>
    %eq3A_12 = arith.constant 15 : i32
    %eq3A_13 = arith.cmpi eq, %arg0, %eq3A_12 : i32
    %convert_element_type3A_14 = arith.extui %eq3A_13 : i1 to i32
    %cond3A_15 = arith.constant 0 : i32
    %cond3A_16 = arith.cmpi ne, %convert_element_type3A_14, %cond3A_15 : i32
    scf.if %cond3A_16 {
      %get3A_17 = arith.constant 0 : index
      %get3A_18 = memref.load %arg4[%get3A_17] : memref<1xf32, #tpu.memory_space<smem>>
      %get3A_19 = arith.constant 0 : index
      %get3A_20 = arith.constant 0 : index
      %get3A_21 = memref.load %arg2[%get3A_19, %get3A_20] : memref<1x1xf32, #tpu.memory_space<smem>>
      %add3A_22 = arith.addf %get3A_18, %get3A_21 : f32
      %swap3A_23 = arith.constant 0 : index
      %swap3A_24 = arith.constant 0 : index
      %swap3A_25 = memref.load %arg3[%swap3A_23, %swap3A_24] : memref<1x1xf32, #tpu.memory_space<smem>>
      memref.store %add3A_22, %arg3[%swap3A_23, %swap3A_24] : memref<1x1xf32, #tpu.memory_space<smem>>
    } else {
    }
    return
  }
  func.func @transform_0(%arg0: i32) -> (i32, i32) {
    %c0_i32 = arith.constant 0 : i32
    %c0_i32_0 = arith.constant 0 : i32
    return %arg0, %c0_i32 : i32, i32
  }
  func.func @transform_1(%arg0: i32) -> (i32, i32) {
    %c0_i32 = arith.constant 0 : i32
    %c0_i32_0 = arith.constant 0 : i32
    %c0_i32_1 = arith.constant 0 : i32
    return %c0_i32, %c0_i32_0 : i32, i32
  }
  func.func @transform_2(%arg0: i32) -> (i32, i32) {
    %c0_i32 = arith.constant 0 : i32
    %c0_i32_0 = arith.constant 0 : i32
    %c0_i32_1 = arith.constant 0 : i32
    return %c0_i32, %c0_i32_0 : i32, i32
  }
}

</mosaic_0001>

<sc_bundles>
// kernel: kernel.5.cloned.1.call-start
scs
__scs_entry_jumppad:
0x0: {  	(pc) =	sbr.rel $0x88, $3  }
0x1: {  	(tag) =	ssettag $0x0;
	lr =	simm.s32 $0x1  }
0x2: {  	[smem:$0x3F9C] =	sst lr;
	_ =	strace $0xD0000000  }
0x3: {  	_ = 	snop  }
0x4: {  	_ = 	snop  }
0x5: {  	_ = 	snop  }
0x6: {  	_ = 	snop  }
0x7: {  	_ = 	snop  }
__scs_overlays_trampoline_lowered:
0x8: {  	[smem:$0x3FAB] =	sst s0  }
0x9: {  	[smem:$0x3FAC] =	sst s1  }
0xa: {  	[smem:$0x3FAD] =	sst s2  }
0xb: {  	[smem:$0x3FAE] =	sst s3  }
0xc: {  	[smem:$0x3FAF] =	sst s4  }
0xd: {  	[smem:$0x3FB0] =	sst s5  }
0xe: {  	[smem:$0x3FB1] =	sst s6  }
0xf: {  	[smem:$0x3FB2] =	sst s7  }
0x10: {  	[smem:$0x3FB3] =	sst s8  }
0x11: {  	[smem:$0x3FB4] =	sst s9;
	s0 =	simm.s32 @!p0 $0x0  }
0x12: {  	s1 =	sld [smem:$0x3F9A];
	s0 =	simm.s32 @p0 $0x1  }
0x13: {  	[smem:$0x3FB5] =	sst s0;
	s0 =	simm.s32 @!p1 $0x0  }
0x14: {  	s2 =	sld [smem:$0x3F99];
	s0 =	simm.s32 @p1 $0x1  }
0x15: {  	[smem:$0x3FB6] =	sst s0;
	s0 =	simm.s32 @!p2 $0x0  }
0x16: {  	s3 =	sld [smem:$0x3FDB];
	s0 =	simm.s32 @p2 $0x1  }
0x17: {  	s4 =	simm.s32 $0x1BF5;
	[smem:$0x3FB8] =	sst s0  }
0x18: {  	s0 =	sld [smem:$0x3F9B];
	_ =	swait.ge [sflag:s4], $0x0  }
0x19: {  	s7 =	sld [smem:$0x3F9C]  }
0x1a: {  	s8 =	sadd.s32 $0xFFFFE003, lr  }
0x1b: {  	s9 =	sadd.s32 $0xFFFFFEF7, lr;
	s5 =	simm.s32 $0xFFFFFFFF;
	p2 =	slt.u32 s8, $0xFFFFF086  }
0x1c: {  	p1 =	slt.u32 s9, $0xF7A;
	s5 =	simm.s32 @!p2 $0x0  }
0x1d: {  	s5 =	simm.s32 @p1 $0x1;
	p0 =	seq.s32 s7, s2  }
0x1e: {  	s7 =	smul.u32 @!p0 $0xF7A, s2;
	p2 =	seq.s32 @!p0 s5, $0x0  }
0x1f: {  	s9 =	smul.u32 $0xF7A, s1;
	s8 =	simm.s32 @!p0 $0x1BF5;
	p2 =	por !p2, p0  }
0x20: {  	[sflag:s8] =	ssyncset.s32 @!p0 $0xFFFFF086;
	s6 =	sadd.s32 @!p0 s3, s7;
	s7 =	simm.s32 @!p0 $0x108  }
0x21: {  	s3 =	sadd.s32 s3, s9;
	s6 =	sadd.s32 @!p0 $0x88, s6;
	s7 =	simm.s32 @p2 $0x1082  }
0x22: {  	[simem:s7], [sflag:s8] =	dma.local @!p0 [hbm:s6], $0xF7A  }
0x23: {  	s9 =	sor.u32 $0xD0000000, s2;
	s6 =	simm.s32 $0x108;
	_ =	swait.ge @!p0 [sflag:s8], $0x0  }
0x24: {  	s3 =	sadd.s32 $0x88, s3;
	s6 =	simm.s32 @!p1 $0x1082;
	[sflag:s4] =	ssyncset.s32 $0xFFFFF086  }
0x25: {  	[simem:s6], [sflag:s4] =	dma.local [hbm:s3], $0xF7A  }
0x26: {  	[smem:$0x3F9C] =	sst s1;
	(tag) =	ssettag s2;
	_ =	strace s9  }
0x27: {  	s1 =	sld [smem:$0x3FAC]  }
0x28: {  	s2 =	sld [smem:$0x3FAD]  }
0x29: {  	s4 =	sld [smem:$0x3FAF]  }
0x2a: {  	p0 =	seq.s32 s5, $0x0;
	s5 =	sld [smem:$0x3FB0]  }
0x2b: {  	s6 =	sld [smem:$0x3FB1]  }
0x2c: {  	s7 =	sld [smem:$0x3FB2]  }
0x2d: {  	s3 =	simm.s32 $0x108;
	s8 =	sld [smem:$0x3FB3]  }
0x2e: {  	s3 =	simm.s32 @!p0 $0x1082;
	s9 =	sld [smem:$0x3FB4]  }
0x2f: {  	lr =	sadd.s32 s0, s3;
	s0 =	sld [smem:$0x3FAB]  }
0x30: {  	s3 =	sld [smem:$0x3FAE]  }
0x31: {  	[smem:$0x3FB7] =	sst s10  }
0x32: {  	s10 =	sld [smem:$0x3FB5];
	_ =	sdelay $0x3  }
0x33: {  	p0 =	seq.s32 s10, $0x1;
	s10 =	sld [smem:$0x3FB7];
	_ =	sdelay $0x3  }
0x34: {  	[smem:$0x3FB7] =	sst s10  }
0x35: {  	s10 =	sld [smem:$0x3FB6];
	_ =	sdelay $0x3  }
0x36: {  	p1 =	seq.s32 s10, $0x1;
	s10 =	sld [smem:$0x3FB7];
	_ =	sdelay $0x3  }
0x37: {  	[smem:$0x3FB7] =	sst s10  }
0x38: {  	s10 =	sld [smem:$0x3FB8]  }
0x39: {  	_ = 	snop;
	(pc) =	sbr.ind lr, $3  }
0x3a: {  	_ = 	snop  }
0x3b: {  	_ = 	snop  }
0x3c: {  	p2 =	seq.s32 s10, $0x1;
	s10 =	sld [smem:$0x3FB7]  }
0x3d: {  	_ =	shalt  }
0x3e: {  	_ =	shalt  }
0x3f: {  	_ =	shalt  }
0x40: {  	_ =	shalt  }
0x41: {  	_ =	shalt  }
0x42: {  	_ =	shalt  }
0x43: {  	_ =	shalt  }
0x44: {  	_ =	shalt  }
0x45: {  	_ =	shalt  }
0x46: {  	_ =	shalt  }
0x47: {  	_ =	shalt  }
0x48: {  	_ =	shalt  }
0x49: {  	_ =	shalt  }
0x4a: {  	_ =	shalt  }
0x4b: {  	_ =	shalt  }
0x4c: {  	_ =	shalt  }
0x4d: {  	_ =	shalt  }
0x4e: {  	_ =	shalt  }
0x4f: {  	_ =	shalt  }
0x50: {  	_ =	shalt  }
0x51: {  	_ =	shalt  }
0x52: {  	_ =	shalt  }
0x53: {  	_ =	shalt  }
0x54: {  	_ =	shalt  }
0x55: {  	_ =	shalt  }
0x56: {  	_ =	shalt  }
0x57: {  	_ =	shalt  }
0x58: {  	_ =	shalt  }
0x59: {  	_ =	shalt  }
0x5a: {  	_ =	shalt  }
0x5b: {  	_ =	shalt  }
0x5c: {  	_ =	shalt  }
0x5d: {  	_ =	shalt  }
0x5e: {  	_ =	shalt  }
0x5f: {  	_ =	shalt  }
0x60: {  	_ =	shalt  }
0x61: {  	_ =	shalt  }
0x62: {  	_ =	shalt  }
0x63: {  	_ =	shalt  }
0x64: {  	_ =	shalt  }
0x65: {  	_ =	shalt  }
0x66: {  	_ =	shalt  }
0x67: {  	_ =	shalt  }
0x68: {  	_ =	shalt  }
0x69: {  	_ =	shalt  }
0x6a: {  	_ =	shalt  }
0x6b: {  	_ =	shalt  }
0x6c: {  	_ =	shalt  }
0x6d: {  	_ =	shalt  }
0x6e: {  	_ =	shalt  }
0x6f: {  	_ =	shalt  }
0x70: {  	_ =	shalt  }
0x71: {  	_ =	shalt  }
0x72: {  	_ =	shalt  }
0x73: {  	_ =	shalt  }
0x74: {  	_ =	shalt  }
0x75: {  	_ =	shalt  }
0x76: {  	_ =	shalt  }
0x77: {  	_ =	shalt  }
0x78: {  	_ =	shalt  }
0x79: {  	_ =	shalt  }
0x7a: {  	_ =	shalt  }
0x7b: {  	_ =	shalt  }
0x7c: {  	_ =	shalt  }
0x7d: {  	_ =	shalt  }
0x7e: {  	_ =	shalt  }
0x7f: {  	_ =	shalt  }
0x80: {  	_ =	shalt  }
0x81: {  	_ =	shalt  }
0x82: {  	_ =	shalt  }
0x83: {  	_ =	shalt  }
0x84: {  	_ =	shalt  }
0x85: {  	_ =	shalt  }
0x86: {  	_ =	shalt  }
0x87: {  	_ =	shalt  }
.Lfunc_end0:
.L_simem_size_0:
called_computation_lowered:
.L_overlay_start_0:
0x88: {  	s2 =	sld [smem:$0x3FD9]  }
0x89: {  	s3 =	sld [smem:$0x3FFE];
	_ =	sdelay $0x1  }
0x8a: {  	s1 =	srdreg.scid  }
0x8b: {  	s0 =	sand.u32 $0x1, s1  }
0x8c: {  	s16 =	sshll.u32 s0, $0xA;
	s2 =	sadd.s32 s3, s2  }
0x8d: {  	s2 =	sadd.s32 s2, s16  }
0x8e: {  	[smem:$0x3FC3] =	sst s2  }
0x8f: {  	_ = 	snop  }
0x90: {  	(tm) =	ssettm $0x1  }
0x91: {  	s17 =	sld [smem:$0x3FFB];
	_ =	sdelay $0x3  }
0x92: {  	_ =	strace s17  }
0x93: {  	s2 =	sld [smem:$0x3FFC];
	_ =	sdelay $0x3  }
0x94: {  	_ =	strace s2  }
0x95: {  	s2 =	sld [smem:$0x3FFD];
	_ =	sdelay $0x3  }
0x96: {  	_ =	strace s2  }
0x97: {  	_ =	strace $0x8FFFFFFF  }
0x98: {  	s18 =	sld [smem:$0x3FDB];
	_ =	sdelay $0x1  }
0x99: {  	s19 =	simm.s32 $_scs_section_size  }
0x9a: {  	s4 =	simm.s32 $_size__tile_overlayer_lowered;
	s5 =	simm.s32 $_tile_overlayer_lowered  }
0x9b: {  	s22 =	simm.s32 $0x1BFF;
	s21 =	sshll.u32 s5, $0x1;
	s2 =	sadd.s32 s19, s18  }
0x9c: {  	s6 =	simm.s32 $0x0;
	s20 =	sshll.u32 s4, $0x1;
	s4 =	sadd.s32 s21, s2  }
0x9d: {  	[timem:s6], [sflag:s22] =	dma.local [hbm:s4], s20  }
0x9e: {  	_ =	swait.ge [sflag:s22], s20  }
0x9f: {  	s3 =	ssub.s32 $0x0, s20;
	[sflag:s22] =	ssyncset.done $0x0  }
0xa0: {  	[sflag:s22] =	ssyncadd.s32 s3;
	_ =	sdelay $0x1  }
0xa1: {  	s23 =	simm.s32 $0x1B8B  }
0xa2: {  	_ =	swait.ge [sflag:s23], $0x1  }
0xa3: {  	[sflag:s23] =	ssyncset.done $0x0  }
0xa4: {  	s25 =	simm.s32 $0x1B8E;
	s24 =	sld [smem:$0x3FFE];
	[sflag:s23] =	ssyncadd.s32 $0xFFFFFFFF  }
0xa5: {  	s26 =	simm.s32 $execute0_lowered;
	[smem:$0x3FD2] =	sst s25  }
0xa6: {  	s4 =	sshll.u32 s26, $0x1;
	_ =	strace $0x80000046;
	[dreg:$0x1] =	wrdreg $0xFFFFFFFF  }
0xa7: {  	s28 =	simm.s32 $_size_execute0_lowered;
	s2 =	sadd.s32 s2, s4;
	[dreg:$0x0] =	wrdreg $0x0  }
0xa8: {  	s4 =	sshll.u32 s28, $0x1;
	[dreg:$0x2] =	wrdreg s2  }
0xa9: {  	[dreg:$0x3] =	wrdreg s4  }
0xaa: {  	[dreg:$0x4] =	wrdreg $0xC0  }
0xab: {  	_ =	task [dreg:s6], $0x5FFFF  }
0xac: {  	[dreg:$0x1] =	wrdreg $0xFFFFFFFF  }
0xad: {  	[dreg:$0x0] =	wrdreg $0x60  }
0xae: {  	[dreg:$0x2] =	wrdreg s24  }
0xaf: {  	[dreg:$0x3] =	wrdreg $0x9  }
0xb0: {  	_ =	task.clear_ibuf [dreg:s6], $0x4FFFF;
	_ =	strace $0x90000046  }
0xb1: {  	s29 =	simm.s32 $0x9;
	_ =	strace $0x80000048  }
0xb2: {  	_ =	swait.ge [sflag:s29], $0x1  }
0xb3: {  	[sflag:s29] =	ssyncadd.s32 $0xFFFFFFFF  }
0xb4: {  	_ =	strace $0x90000048  }
0xb5: {  	_ =	sfence  }
0xb6: {  	s30 =	sld [smem:$0x0];
	_ =	sdelay $0x2  }
0xb7: {  	s31 =	sshll.u32 s1, $0xD;
	s1 =	sshrl.u32 s1, $0x2  }
0xb8: {  	s3 =	sand.u32 $0x4000, s31;
	s1 =	sadd.s32 s1, s30  }
0xb9: {  	s0 =	sor.u32 s3, s0;
	s1 =	sshll.u32 s1, $0x11  }
0xba: {  	s0 =	sor.u32 s1, s0  }
0xbb: {  	s0 =	sadd.s32 $0x8F2B, s0  }
0xbc: {  	[sflag:s0] =	ssyncadd.remote.s32 $0x1  }
0xbd: {  	_ =	sfence.sel $0xFFFF  }
0xbe: {  	[dreg:$0x0] =	wrdreg $0xFFFFFFFF;
	(pc) =	sbr.abs _section_cstart, $3  }
0xbf: {  	[dreg:$0x1] =	wrdreg $0xFFFFFFFF  }
0xc0: {  	_ =	task.clear_ibuf [dreg:s6], $0x2FFFF;
	_ =	strace $0x9FFFFFFF  }
0xc1: {  	(tm) =	ssettm $0x7FFFFFFF  }
tec
execute0_lowered:
.L_overlay_start_1:
0x0: {  	(tag) =	ssettag $0x1  }
0x1: {  	s0 =	rddreg [dreg:$0x0];
	s1 =	simm.s32 $0x0;
	s20 =	srdreg.scid  }
0x2: {  	s21 =	stileid.u32;
	s28 =	simm.s32 $0x19F80;
	s29 =	simm.s32 $0x1  }
0x3: {  	s30 =	simm.s32 $0x1A780;
	[smem:$0x7FF] =	sst s1;
	s4 =	sadd.s32 $0x42200, s0  }
0x4: {  	s18 =	sadd.s32 $0x42800, s0;
	_ =	strace $0x80000047;
	[dreg:$0x2] =	wrdreg s4  }
0x5: {  	s31 =	simm.s32 $0x2;
	s19 =	sadd.s32 $0x42E00, s0;
	[dreg:$0x3] =	wrdreg s18  }
0x6: {  	s2 =	sadd.s32 $0x20800, s0;
	s5 =	sadd.s32 $0x43400, s0;
	[dreg:$0x4] =	wrdreg s19  }
0x7: {  	s3 =	sadd.s32 $0x800, s0;
	s6 =	sadd.s32 $0x43A00, s0;
	[dreg:$0x5] =	wrdreg s5  }
0x8: {  	s7 =	sadd.s32 $0x40800, s0;
	s12 =	sadd.s32 $0x44000, s0;
	[dreg:$0x6] =	wrdreg s6  }
0x9: {  	s4 =	sand.u32 $0x1, s20;
	s5 =	sshll.u32 s21, $0x10;
	[dreg:$0x7] =	wrdreg s7  }
0xa: {  	s18 =	simm.s32 $0x5;
	s19 =	simm.s32 $0x2780;
	s22 =	sshll.u32 s4, $0xF  }
0xb: {  	s20 =	simm.s32 $0x4;
	s4 =	ssub.s32 $0x2, s4;
	s11 =	sor.u32 s22, s5  }
0xc: {  	s21 =	simm.s32 $0x0;
	s23 =	sshrl.u32 s4, $0x1;
	s5 =	sshrl.u32 s11, $0x3  }
0xd: {  	s0 =	ssub.s32 s4, s23;
	s23 =	simm.s32 $0xC400;
	s24 =	sadd.s32 s2, s5  }
0xe: {  	s25 =	sor.u32 $0x100, s5;
	s5 =	sadd.s32 s3, s5;
	[dreg:$0x8] =	wrdreg s24  }
0xf: {  	s0 =	smax.u32 s0, $0x1;
	[dreg:$0x9] =	wrdreg s5;
	s26 =	sadd.s32 s2, s25  }
0x10: {  	s4 =	sadd.s32 s3, s25;
	[dreg:$0xc] =	wrdreg s0;
	s24 =	simm.s32 $0x18780  }
0x11: {  	s25 =	simm.s32 $0x19780;
	s0 =	simm.s32 $0x1AB80;
	[dreg:$0xa] =	wrdreg s26  }
0x12: {  	v0 =	vimm.s32 $0x0;
	s5 =	simm.s32 $0x3;
	[dreg:$0xb] =	wrdreg s4;
	s26 =	simm.s32 $0x18F80  }
.LBB2_1:
0x13: {  	s4 =	rddreg [dreg:$0x2]  }
0x14: {  	[tilespmem:s1], [sflag:$0x5] =	stream.linear.gather [hbm4b:s4+s1], $0x2780, $0x38;
	[tilespmem:$0x1AF80] =	vst v63  }
0x15: {  	_ =	swait.ge [sflag:s18], $0x2780  }
0x16: {  	[sflag:s18] =	ssyncset.done $0x0  }
0x17: {  	s6 =	rddreg [dreg:$0x3];
	[sflag:s18] =	ssyncadd.s32 $0xFFFFD880  }
0x18: {  	[tilespmem:s19], [sflag:$0x5] =	stream.linear.gather [hbm4b:s6+s1], $0x2710, $0x38;
	[tilespmem:$0x1AF80] =	vst v63  }
0x19: {  	_ =	swait.ge [sflag:s18], $0x2710  }
0x1a: {  	[sflag:s18] =	ssyncset.done $0x0  }
0x1b: {  	s6 =	simm.s32 $0x4E90;
	s7 =	rddreg [dreg:$0x4];
	[sflag:s18] =	ssyncadd.s32 $0xFFFFD8F0  }
0x1c: {  	[tilespmem:s6], [sflag:$0x5] =	stream.linear.gather [hbm4b:s7+s1], $0x2710, $0x38;
	[tilespmem:$0x1AF80] =	vst v63  }
0x1d: {  	_ =	swait.ge [sflag:s18], $0x2710  }
0x1e: {  	[sflag:s18] =	ssyncset.done $0x0  }
0x1f: {  	s9 =	simm.s32 $0x75A0;
	s8 =	rddreg [dreg:$0x5];
	[sflag:s18] =	ssyncadd.s32 $0xFFFFD8F0  }
0x20: {  	[tilespmem:s9], [sflag:$0x5] =	stream.linear.gather [hbm4b:s8+s1], $0x2710, $0x38;
	[tilespmem:$0x1AF80] =	vst v63  }
0x21: {  	_ =	swait.ge [sflag:s18], $0x2710  }
0x22: {  	[sflag:s18] =	ssyncset.done $0x0  }
0x23: {  	s13 =	simm.s32 $0x9CB0;
	s10 =	rddreg [dreg:$0x6];
	[sflag:s18] =	ssyncadd.s32 $0xFFFFD8F0  }
0x24: {  	[tilespmem:s13], [sflag:$0x5] =	stream.linear.gather [hbm4b:s10+s1], $0x2710, $0x38;
	[tilespmem:$0x1AF80] =	vst v63  }
0x25: {  	_ =	swait.ge [sflag:s18], $0x2710  }
0x26: {  	[sflag:s18] =	ssyncset.done $0x0  }
0x27: {  	s14 =	rddreg [dreg:$0x7];
	[sflag:s18] =	ssyncadd.s32 $0xFFFFD8F0  }
0x28: {  	[tilespmem:s23], [sflag:$0x5] =	stream.linear.gather [hbm4b:s14+s1], $0xC380, $0x38;
	[tilespmem:$0x1AF80] =	vst v63  }
0x29: {  	_ =	swait.ge [sflag:s18], $0xC380  }
0x2a: {  	[sflag:s18] =	ssyncset.done $0x0  }
0x2b: {  	s15 =	rddreg [dreg:$0x8];
	[sflag:s18] =	ssyncadd.s32 $0xFFFF3C80  }
0x2c: {  	[tilespmem:s24], [sflag:$0x1] =	stream.linear.gather [hbm4b:s15+s1], $0x800, $0x38;
	[tilespmem:$0x1AF80] =	vst v63  }
0x2d: {  	s16 =	rddreg [dreg:$0x9]  }
0x2e: {  	[tilespmem:s25], [sflag:$0x1] =	stream.linear.gather [hbm4b:s16+s1], $0x800, $0x38;
	[tilespmem:$0x1AF80] =	vst v63  }
0x2f: {  	s17 =	rddreg [dreg:$0xa]  }
0x30: {  	[tilespmem:s26], [sflag:$0x2] =	stream.linear.gather [hbm4b:s17+s1], $0x800, $0x38;
	[tilespmem:$0x1AF80] =	vst v63  }
0x31: {  	s22 =	rddreg [dreg:$0xb]  }
0x32: {  	[tilespmem:s28], [sflag:$0x2] =	stream.linear.gather [hbm4b:s22+s1], $0x800, $0x38;
	[tilespmem:$0x1AF80] =	vst v63  }
0x33: {  	s22 =	simm.s32 $0x0  }
.LBB2_2:
0x34: {  	_ =	swait.ge [sflag:s29], $0x800  }
0x35: {  	[sflag:s29] =	ssyncset.done $0x0  }
0x36: {  	[sflag:s29] =	ssyncadd.s32 $0xFFFFF800  }
0x37: {  	_ =	swait.ge [sflag:s29], $0x800  }
0x38: {  	p0 =	seq.s32 s22, $0x0;
	[sflag:s29] =	ssyncset.done $0x0  }
0x39: {  	s4 =	simm.s32 @!p0 $0x3;
	[sflag:s29] =	ssyncadd.s32 $0xFFFFF800  }
0x3a: {  	_ =	swait.ge @!p0 [sflag:s4], $0x400  }
0x3b: {  	[sflag:s4] =	ssyncset.done @!p0 $0x0  }
0x3c: {  	s15 =	simm.s32 $0x187A0;
	[sflag:s4] =	ssyncadd.s32 @!p0 $0xFFFFFC00  }
0x3d: {  	v2 =	vld [tilespmem:s15+$0xFFFFFFF0]  }
0x3e: {  	s6 =	simm.s32 $0x197A0;
	v3 =	vld [tilespmem:s15+$0xFFFFFFE0]  }
0x3f: {  	v4 =	vld [tilespmem:s6+$0xFFFFFFE0]  }
0x40: {  	v5 =	vld [tilespmem:s6+$0xFFFFFFF0];
	_ =	sdelay $0x1  }
0x41: {  	v7 =	vld [tilespmem:s6+$0x10]  }
0x42: {  	v6 =	vld [tilespmem:s15+$0x10]  }
0x43: {  	v1 =	vand.u32 $0x7, v3  }
0x44: {  	v8 =	vand.u32 $0x7, v2;
	vm2 =	vgt.s32 v4, $0xC34F;
	vm0 =	vgt.s32 v5, $0xC34F  }
0x45: {  	v3 =	vshra.s32 v3, $0x3;
	v9 =	vmul.u32 $0x2710, v1;
	v10 =	vsel vm2, $0xFFFF3CB0, v0  }
0x46: {  	vm1 =	vgt.s32 v7, $0xC34F;
	v11 =	vsel vm0, $0xFFFF3CB0, v0;
	v4 =	vadd.s32 v4, v10  }
0x47: {  	v10 =	vadd.s32 v5, v11;
	v5 =	vand.u32 $0x7, v6;
	v9 =	vadd.s32 v3, v9  }
0x48: {  	v14 =	vsel vm1, $0xFFFF3CB0, v0;
	v12 =	vmul.u32 $0x2710, v5;
	vm3 =	vgt.s32 v9, $0x4E20  }
0x49: {  	v15 =	vshra.s32 v6, $0x3;
	v7 =	vadd.s32 v7, v14;
	v13 =	vnsel vm3, $0x4E20, v9  }
0x4a: {  	v11 =	vld [tilespmem:s15+$0x0];
	vm3 =	vlt.s32 v9, $0xC34F;
	v12 =	vadd.s32 v15, v12;
	v13 =	vadd.s32 $0xFFFFB1E0, v13  }
0x4b: {  	v14 =	vmul.u32 $0x2710, v8;
	v3 =	vld.idx.msk [tilespmem:v3+s1+$0x0], $0xffff;
	v6 =	vnsel vm3, $0xC34F, v9;
	vm3 =	vlt.s32 v12, $0xC34F  }
0x4c: {  	v2 =	vshra.s32 v2, $0x3;
	v4 =	vld.idx.msk [tilespmem:v4+s23+$0x0], $0xffff;
	v16 =	vadd.s32 $0xFFFFD8F0, v6;
	v17 =	vnsel vm3, $0xC34F, v12  }
0x4d: {  	v14 =	vadd.s32 v2, v14;
	vm4 =	vgt.s32 v12, $0x4E20;
	v10 =	vld.idx.msk [tilespmem:v10+s23+$0x0], $0xffff;
	v17 =	vadd.s32 $0xFFFFD8F0, v17  }
0x4e: {  	vm10 =	vgt.s32 v14, $0x4E20;
	v12 =	vnsel vm4, $0x4E20, v12;
	v7 =	vld.idx.msk [tilespmem:v7+s23+$0x0], $0xffff  }
0x4f: {  	v6 =	vand.u32 $0x7, v11;
	vm3 =	vlt.s32 v14, $0xC34F;
	v12 =	vadd.s32 $0xFFFFB1E0, v12;
	v13 =	vld.idx.msk [tilespmem:v13+s19+$0x0], $0xffff  }
0x50: {  	v9 =	vld [tilespmem:s6+$0x0];
	v18 =	vmul.u32 $0x2710, v6;
	v20 =	vnsel vm3, $0xC34F, v14;
	v14 =	vnsel vm10, $0x4E20, v14  }
0x51: {  	v11 =	vshra.s32 v11, $0x3;
	v38 =	vadd.s32 $0xFFFFD8F0, v20;
	v14 =	vadd.s32 $0xFFFFB1E0, v14;
	v16 =	vld.idx.msk [tilespmem:v16+s19+$0x0], $0xffff  }
0x52: {  	v18 =	vadd.s32 v11, v18;
	v19 =	vand.u32 $0xFFFF0000, v4;
	v4 =	vshll.u32 v4, $0x10;
	v17 =	vld.idx.msk [tilespmem:v17+s19+$0x0], $0xffff  }
0x53: {  	v15 =	vld.idx.msk [tilespmem:v15+s1+$0x0], $0xffff;
	vm3 =	vgt.s32 v18, $0x4E20;
	vm11 =	vlt.s32 v18, $0xC34F;
	v4 =	vsel vm2, v19, v4  }
0x54: {  	v39 =	vand.u32 $0xFFFF0000, v10;
	v21 =	vand.u32 $0xFFFF0000, v7;
	v12 =	vld.idx.msk [tilespmem:v12+s19+$0x0], $0xffff;
	v13 =	vsub.f32 v13, v4  }
0x55: {  	v7 =	vshll.u32 v7, $0x10;
	v10 =	vshll.u32 v10, $0x10;
	vm2 =	vgt.s32 v9, $0xC34F  }
0x56: {  	v7 =	vsel vm1, v21, v7;
	v4 =	vsub.f32 v16, v4;
	v13 =	vmul.f32 v13, v3  }
0x57: {  	v10 =	vsel vm0, v39, v10;
	v40 =	vsel vm2, $0xFFFF3CB0, v0;
	v19 =	vld.idx.msk [tilespmem:v38+s19+$0x0], $0xffff;
	v17 =	vsub.f32 v17, v7  }
0x58: {  	v2 =	vld.idx.msk [tilespmem:v2+s1+$0x0], $0xffff;
	v9 =	vadd.s32 v9, v40;
	v3 =	vmul.f32 v4, v3;
	v13 =	vmul.f32 $1.442695020e+00, v13  }
0x59: {  	v7 =	vsub.f32 v12, v7;
	v4 =	vld.idx.msk [tilespmem:v14+s19+$0x0], $0xffff;
	v14 =	vnsel vm11, $0xC34F, v18;
	v12 =	vmul.f32 v17, v15  }
0x5a: {  	v3 =	vmul.f32 $1.442695020e+00, v3;
	(erf) = vpow2.f32 v13;
	v13 =	vnsel vm3, $0x4E20, v18  }
0x5b: {  	s17 =	simm.s32 $0x197E0;
	v7 =	vmul.f32 v7, v15;
	v12 =	vmul.f32 $1.442695020e+00, v12;
	v13 =	vadd.s32 $0xFFFFB1E0, v13  }
0x5c: {  	v49 =	vld [tilespmem:s17+$0x0];
	v14 =	vadd.s32 $0xFFFFD8F0, v14;
	(erf) = vpow2.f32 v3;
	v3 =	vsub.f32 v19, v10  }
0x5d: {  	v9 =	vld.idx.msk [tilespmem:v9+s23+$0x0], $0xffff;
	v7 =	vmul.f32 $1.442695020e+00, v7;
	(erf) = vpow2.f32 v12  }
0x5e: {  	v4 =	vsub.f32 v4, v10;
	v3 =	vmul.f32 v3, v2  }
0x5f: {  	(erf) = vpow2.f32 v7  }
0x60: {  	v2 =	vmul.f32 v4, v2;
	v3 =	vmul.f32 $1.442695020e+00, v3;
	v4 =	vld.idx.msk [tilespmem:v13+s19+$0x0], $0xffff  }
0x61: {  	vm12 =	veq.s32 v8, $0x5;
	vm4 =	vgt.s32 v49, $0xC34F;
	v7 =	vld.idx.msk [tilespmem:v14+s19+$0x0], $0xffff  }
0x62: {  	s16 =	simm.s32 $0x187E0;
	v11 =	vld.idx.msk [tilespmem:v11+s1+$0x0], $0xffff;
	v2 =	vmul.f32 $1.442695020e+00, v2;
	(erf) = vpow2.f32 v3;
	v3 =	vshll.u32 v9, $0x10  }
0x63: {  	v43 =	vld [tilespmem:s16+$0x10];
	vm8 =	veq.s32 v1, $0x1;
	v28 =	vsel vm4, $0xFFFF3CB0, v0;
	v10 =	vand.u32 $0xFFFF0000, v9;
	v12 =	vpop (erf)  }
0x64: {  	(erf) = vpow2.f32 v2;
	v2 =	vsel vm2, v10, v3;
	v9 =	vadd.f32 $1.000000000e+00, v12  }
0x65: {  	v54 =	vadd.s32 v49, v28;
	vm0 =	veq.s32 v6, $0x1;
	v3 =	vpop (erf);
	v12 =	vld [tilespmem:s17+$0xFFFFFFF0];
	v4 =	vsub.f32 v4, v2  }
0x66: {  	vm1 =	veq.s32 v5, $0x5;
	v10 =	vpop (erf);
	v2 =	vsub.f32 v7, v2;
	(erf) = vrcp.f32 v9;
	v9 =	vld [tilespmem:s16+$0xFFFFFFF0]  }
0x67: {  	vm3 =	veq.s32 v8, $0x1;
	v7 =	vadd.f32 $1.000000000e+00, v10;
	v10 =	vld [tilespmem:s17+$0xFFFFFFE0];
	v4 =	vmul.f32 v4, v11  }
0x68: {  	v18 =	vshra.s32 v43, $0x3;
	vm2 =	veq.s32 v1, $0x5;
	v2 =	vmul.f32 v2, v11  }
0x69: {  	v3 =	vadd.f32 $1.000000000e+00, v3;
	v8 =	vpop (erf);
	(erf) = vrcp.f32 v7;
	v7 =	vld [tilespmem:s17+$0x10];
	v4 =	vmul.f32 $1.442695020e+00, v4  }
0x6a: {  	v13 =	vld [tilespmem:s16+$0xFFFFFFE0];
	v8 =	vadd.f32 $1.000000000e+00, v8;
	vm6 =	vgt.s32 v12, $0xC34F;
	v2 =	vmul.f32 $1.442695020e+00, v2  }
0x6b: {  	v11 =	vpop (erf);
	v41 =	vsel vm6, $0xFFFF3CB0, v0;
	v1 =	vand.u32 $0x7, v9;
	(erf) = vpow2.f32 v4  }
0x6c: {  	v15 =	vld [tilespmem:s16+$0x0];
	v4 =	vadd.f32 $1.000000000e+00, v11;
	vm7 =	vgt.s32 v10, $0xC34F;
	v12 =	vadd.s32 v12, v41  }
0x6d: {  	v11 =	vpop (erf);
	v9 =	vshra.s32 v9, $0x3;
	v14 =	vmul.u32 $0x2710, v1;
	v42 =	vsel vm7, $0xFFFF3CB0, v0  }
0x6e: {  	v11 =	vadd.f32 $1.000000000e+00, v11;
	vm5 =	vgt.s32 v7, $0xC34F;
	v10 =	vadd.s32 v10, v42  }
0x6f: {  	v46 =	vsel vm5, $0xFFFF3CB0, v0;
	v44 =	vpop (erf);
	(erf) = vrcp.f32 v4;
	v4 =	vand.u32 $0x7, v13  }
0x70: {  	v14 =	vadd.s32 v9, v14;
	v19 =	vadd.s32 v7, v46;
	v47 =	vmul.u32 $0x2710, v4  }
0x71: {  	v13 =	vshra.s32 v13, $0x3;
	v7 =	vshra.s32 v15, $0x3;
	(erf) = vpow2.f32 v2  }
0x72: {  	v2 =	vand.u32 $0x7, v43;
	(erf) = vrcp.f32 v3;
	v48 =	vadd.s32 v13, v47  }
0x73: {  	v12 =	vld.idx.msk [tilespmem:v12+s23+$0x0], $0xffff;
	v3 =	vand.u32 $0x7, v15;
	v15 =	vmul.u32 $0x2710, v2;
	vm13 =	vgt.s32 v48, $0x4E20  }
0x74: {  	v45 =	vsel vm8, $0x3F800000, v44;
	vm9 =	vlt.s32 v48, $0xC34F;
	v50 =	vnsel vm13, $0x4E20, v48  }
0x75: {  	v15 =	vadd.s32 v18, v15;
	v17 =	vnsel vm9, $0xC34F, v48;
	v21 =	vadd.s32 $0xFFFFB1E0, v50  }
0x76: {  	v22 =	vpop (erf);
	vm14 =	vgt.s32 v15, $0x4E20;
	vm15 =	vlt.s32 v15, $0xC34F;
	v17 =	vadd.s32 $0xFFFFD8F0, v17  }
0x77: {  	v10 =	vld.idx.msk [tilespmem:v10+s23+$0x0], $0xffff;
	v23 =	vpop (erf);
	(erf) = vrcp.f32 v11;
	v11 =	vmul.u32 $0x2710, v3;
	v24 =	vnsel vm14, $0x4E20, v15  }
0x78: {  	v15 =	vnsel vm15, $0xC34F, v15;
	v23 =	vadd.f32 $1.000000000e+00, v23;
	v27 =	vand.u32 $0xFFFF0000, v12  }
0x79: {  	v19 =	vld.idx.msk [tilespmem:v19+s23+$0x0], $0xffff;
	v12 =	vshll.u32 v12, $0x10;
	vm14 =	vgt.s32 v14, $0x4E20;
	vm15 =	vlt.s32 v14, $0xC34F  }
0x7a: {  	v24 =	vadd.s32 $0xFFFFB1E0, v24;
	v15 =	vadd.s32 $0xFFFFD8F0, v15;
	v11 =	vadd.s32 v7, v11;
	v21 =	vld.idx.msk [tilespmem:v21+s19+$0x0], $0xffff  }
0x7b: {  	v12 =	vsel vm6, v27, v12;
	v30 =	vnsel vm14, $0x4E20, v14;
	v14 =	vnsel vm15, $0xC34F, v14;
	v17 =	vld.idx.msk [tilespmem:v17+s19+$0x0], $0xffff  }
0x7c: {  	vm13 =	vlt.s32 v11, $0xC34F;
	v29 =	vand.u32 $0xFFFF0000, v10;
	v10 =	vshll.u32 v10, $0x10  }
0x7d: {  	v13 =	vld.idx.msk [tilespmem:v13+s1+$0x0], $0xffff;
	v30 =	vadd.s32 $0xFFFFB1E0, v30;
	v14 =	vadd.s32 $0xFFFFD8F0, v14;
	v25 =	vpop (erf);
	v10 =	vsel vm7, v29, v10  }
0x7e: {  	(erf) = vrcp.f32 v23;
	v25 =	vsel vm12, $0x0, v25;
	vm12 =	vgt.s32 v11, $0x4E20  }
0x7f: {  	v52 =	vand.u32 $0xFFFF0000, v19;
	v19 =	vshll.u32 v19, $0x10;
	(erf) = vrcp.f32 v8;
	v15 =	vld.idx.msk [tilespmem:v15+s19+$0x0], $0xffff  }
0x80: {  	v26 =	vpop (erf);
	v8 =	vnsel vm13, $0xC34F, v11;
	v24 =	vld.idx.msk [tilespmem:v24+s19+$0x0], $0xffff;
	v21 =	vsub.f32 v21, v10;
	v10 =	vsub.f32 v17, v10  }
0x81: {  	v18 =	vld.idx.msk [tilespmem:v18+s1+$0x0], $0xffff;
	v26 =	vadd.f32 $1.000000000e+00, v26;
	v51 =	vpop (erf);
	v53 =	vsel vm5, v52, v19;
	v60 =	vnsel vm12, $0x4E20, v11  }
0x82: {  	v31 =	vpop (erf);
	v21 =	vmul.f32 v21, v13;
	v10 =	vmul.f32 v10, v13;
	v13 =	vsel vm2, $0x0, v51  }
0x83: {  	v61 =	vadd.s32 $0xFFFFD8F0, v8;
	v14 =	vld.idx.msk [tilespmem:v14+s19+$0x0], $0xffff;
	v31 =	vsel vm3, $0x3F800000, v31;
	v13 =	vsub.f32 v45, v13  }
0x84: {  	v59 =	vld.idx.msk [tilespmem:v30+s19+$0x0], $0xffff;
	v55 =	vsub.f32 v31, v25;
	v15 =	vsub.f32 v15, v53;
	v58 =	vmul.f32 $1.442695020e+00, v21  }
0x85: {  	v9 =	vld.idx.msk [tilespmem:v9+s1+$0x0], $0xffff;
	v56 =	vsub.f32 v24, v53;
	v10 =	vmul.f32 $1.442695020e+00, v10;
	v13 =	vmax.f32 v13, $9.999999960e-13  }
0x86: {  	v11 =	vmul.f32 v15, v18;
	v15 =	vld.idx.msk [tilespmem:v54+s23+$0x0], $0xffff;
	(erf) = vpow2.f32 v58;
	v8 =	vmin.f32 v13, $1.000000000e+00  }
0x87: {  	v13 =	vmul.f32 v56, v18;
	(erf) = vpow2.f32 v10;
	v10 =	vadd.s32 $0xFFFFB1E0, v60  }
0x88: {  	v14 =	vsub.f32 v14, v12;
	v11 =	vmul.f32 $1.442695020e+00, v11;
	(erf) = vrcp.f32 v26  }
0x89: {  	v57 =	vmax.f32 v55, $9.999999960e-13;
	v12 =	vsub.f32 v59, v12;
	v13 =	vmul.f32 $1.442695020e+00, v13  }
0x8a: {  	v16 =	vmin.f32 v57, $1.000000000e+00;
	(erf) = vpow2.f32 v11;
	v11 =	vmul.f32 v14, v9  }
0x8b: {  	v63 =	vld.idx.msk [tilespmem:v61+s19+$0x0], $0xffff;
	v16 =	vpack.i.f32.bf16 v16, v8;
	v14 =	vand.u32 $0xFFFF0000, v15;
	v9 =	vmul.f32 v12, v9  }
0x8c: {  	v8 =	vpop (erf);
	v12 =	vshll.u32 v15, $0x10;
	(erf) = vpow2.f32 v13;
	v15 =	vld.idx.msk [tilespmem:v10+s19+$0x0], $0xffff;
	v10 =	vmul.f32 $1.442695020e+00, v11  }
0x8d: {  	s6 =	simm.s32 $0x0;
	v62 =	vsel vm1, $0x0, v22;
	vm1 =	veq.s32 v5, $0x1;
	vm2 =	veq.s32 v6, $0x5;
	v5 =	vpop (erf)  }
0x8e: {  	s7 =	sand.u32 $0x700, s6;
	v8 =	vsel vm0, $0x3F800000, v8;
	v9 =	vmul.f32 $1.442695020e+00, v9;
	v5 =	vsel vm1, $0x3F800000, v5  }
0x8f: {  	s10 =	simm.s32 $0x40;
	s8 =	sand.u32 $0x80, s6;
	s7 =	sshrl.u32 s7, $0x1;
	v7 =	vld.idx.msk [tilespmem:v7+s1+$0x0], $0xffff;
	v12 =	vsel vm4, v14, v12;
	vm0 =	veq.s32 v3, $0x1;
	v6 =	vpop (erf);
	(erf) = vpow2.f32 v10  }
0x90: {  	s9 =	simm.s32 $0x2;
	s8 =	sshrl.u32 s8, $0x1;
	s14 =	sadd.s32 $0x1A780, s7;
	v11 =	vsub.f32 v63, v12;
	v6 =	vadd.f32 $1.000000000e+00, v6;
	v10 =	vpop (erf);
	(erf) = vpow2.f32 v9  }
0x91: {  	s13 =	simm.s32 $0x18820;
	s4 =	sshll.u32 s22, $0xC;
	s8 =	sor.u32 s8, s14;
	vm1 =	veq.s32 v2, $0x5;
	v9 =	vsub.f32 v5, v62;
	v10 =	vadd.f32 $1.000000000e+00, v10;
	v5 =	vpop (erf)  }
0x92: {  	s7 =	sand.u32 $0xC0, s10;
	s10 =	simm.s32 $0x19820;
	[tilespmem:s8+$0x0] =	vst v16;
	s8 =	simm.s32 $0x0;
	v13 =	vsub.f32 v15, v12;
	(erf) = vrcp.f32 v6;
	v12 =	vsel vm2, $0x0, v5  }
.LBB2_3:
0x93: {  	s9 =	sadd.s32 $0x2, s9;
	v14 =	vld [tilespmem:s13+$0xFFFFFFF0];
	vm3 =	veq.s32 v1, $0x1;
	v5 =	vpop (erf);
	v6 =	vsub.f32 v8, v12;
	v8 =	vmax.f32 v9, $9.999999960e-13;
	s6 =	sadd.s32 $0x80, s6;
	s8 =	sadd.s32 $0x40, s8  }
0x94: {  	vm2 =	veq.s32 v4, $0x5;
	v12 =	vld [tilespmem:s10+$0xFFFFFFF0];
	p1 =	slt.u32 s9, $0x3E;
	v13 =	vmul.f32 v13, v7;
	v5 =	vadd.f32 $1.000000000e+00, v5;
	s15 =	sadd.s32 $0x40, s6  }
0x95: {  	vm4 =	veq.s32 v1, $0x5;
	v16 =	vmin.f32 v8, $1.000000000e+00;
	v15 =	vld [tilespmem:s10+$0xFFFFFFE0];
	s15 =	sand.u32 $0xC0, s15;
	v1 =	vpop (erf);
	v6 =	vmax.f32 v6, $9.999999960e-13  }
0x96: {  	s16 =	sshrl.u32 s7, $0x1;
	v9 =	vld [tilespmem:s10+$0x0];
	v13 =	vmul.f32 $1.442695020e+00, v13;
	(erf) = vrcp.f32 v5;
	v5 =	vmin.f32 v6, $1.000000000e+00;
	s7 =	smov.u32 s15  }
0x97: {  	vm8 =	veq.s32 v4, $0x1;
	s14 =	sor.u32 s16, s14;
	v8 =	vadd.f32 $1.000000000e+00, v1;
	v6 =	vld [tilespmem:s10+$0x10];
	v4 =	vpack.i.f32.bf16 v16, v5  }
0x98: {  	v7 =	vmul.f32 v11, v7;
	v5 =	vld [tilespmem:s13+$0xFFFFFFE0];
	v1 =	vand.u32 $0x7, v14;
	v11 =	vpop (erf);
	(erf) = vpow2.f32 v13;
	[tilespmem:s14+$0x0] =	vst v4  }
0x99: {  	vm7 =	vgt.s32 v12, $0xC34F;
	v13 =	vmul.u32 $0x2710, v1;
	v16 =	vld [tilespmem:s13+$0x0];
	v4 =	vadd.f32 $1.000000000e+00, v11;
	v11 =	vpop (erf)  }
0x9a: {  	vm6 =	vgt.s32 v15, $0xC34F;
	v17 =	vsel vm7, $0xFFFF3CB0, v0;
	v11 =	vadd.f32 $1.000000000e+00, v11  }
0x9b: {  	v7 =	vmul.f32 $1.442695020e+00, v7;
	v18 =	vsel vm6, $0xFFFF3CB0, v0;
	v19 =	vld [tilespmem:s13+$0x10];
	v20 =	vpop (erf);
	(erf) = vrcp.f32 v4  }
0x9c: {  	v12 =	vadd.s32 v12, v17;
	vm5 =	vgt.s32 v6, $0xC34F;
	v17 =	vsel vm8, $0x3F800000, v20  }
0x9d: {  	v4 =	vand.u32 $0x7, v5;
	v20 =	vsel vm5, $0xFFFF3CB0, v0;
	(erf) = vpow2.f32 v7  }
0x9e: {  	v21 =	vmul.u32 $0x2710, v4;
	v20 =	vadd.s32 v6, v20;
	(erf) = vrcp.f32 v10  }
0x9f: {  	v15 =	vadd.s32 v15, v18;
	v10 =	vshra.s32 v5, $0x3;
	v7 =	vshra.s32 v16, $0x3;
	v18 =	vpop (erf)  }
0xa0: {  	v5 =	vand.u32 $0x7, v16;
	v21 =	vadd.s32 v10, v21;
	v6 =	vand.u32 $0x7, v19  }
0xa1: {  	vm8 =	vgt.s32 v21, $0x4E20;
	vm9 =	vlt.s32 v21, $0xC34F;
	v16 =	vmul.u32 $0x2710, v6;
	v22 =	vpop (erf)  }
0xa2: {  	v19 =	vshra.s32 v19, $0x3;
	v23 =	vnsel vm8, $0x4E20, v21;
	v21 =	vnsel vm9, $0xC34F, v21;
	v12 =	vld.idx.msk [tilespmem:v12+s23+$0x0], $0xffff  }
0xa3: {  	v23 =	vadd.s32 $0xFFFFB1E0, v23;
	v21 =	vadd.s32 $0xFFFFD8F0, v21;
	v20 =	vld.idx.msk [tilespmem:v20+s23+$0x0], $0xffff;
	v16 =	vadd.s32 v19, v16  }
0xa4: {  	vm8 =	vgt.s32 v16, $0x4E20;
	vm9 =	vlt.s32 v16, $0xC34F;
	(erf) = vrcp.f32 v11;
	v11 =	vpop (erf)  }
0xa5: {  	v24 =	vmul.u32 $0x2710, v5;
	v15 =	vld.idx.msk [tilespmem:v15+s23+$0x0], $0xffff;
	v25 =	vnsel vm8, $0x4E20, v16;
	v16 =	vnsel vm9, $0xC34F, v16  }
0xa6: {  	v11 =	vsel vm4, $0x0, v11;
	v25 =	vadd.s32 $0xFFFFB1E0, v25;
	v16 =	vadd.s32 $0xFFFFD8F0, v16;
	v26 =	vpop (erf)  }
0xa7: {  	v24 =	vadd.s32 v7, v24;
	v22 =	vadd.f32 $1.000000000e+00, v22;
	v26 =	vadd.f32 $1.000000000e+00, v26;
	v27 =	vpop (erf)  }
0xa8: {  	vm4 =	vgt.s32 v9, $0xC34F;
	vm9 =	vgt.s32 v24, $0x4E20;
	vm8 =	vlt.s32 v24, $0xC34F;
	v23 =	vld.idx.msk [tilespmem:v23+s19+$0x0], $0xffff  }
0xa9: {  	v29 =	vsel vm4, $0xFFFF3CB0, v0;
	v28 =	vand.u32 $0xFFFF0000, v12;
	v12 =	vshll.u32 v12, $0x10;
	v21 =	vld.idx.msk [tilespmem:v21+s19+$0x0], $0xffff  }
0xaa: {  	v14 =	vshra.s32 v14, $0x3;
	v12 =	vsel vm7, v28, v12;
	v28 =	vand.u32 $0xFFFF0000, v20;
	v10 =	vld.idx.msk [tilespmem:v10+s1+$0x0], $0xffff  }
0xab: {  	v13 =	vadd.s32 v14, v13;
	v30 =	vand.u32 $0xFFFF0000, v15;
	v15 =	vshll.u32 v15, $0x10;
	v16 =	vld.idx.msk [tilespmem:v16+s19+$0x0], $0xffff  }
0xac: {  	vm7 =	vlt.s32 v13, $0xC34F;
	v15 =	vsel vm6, v30, v15;
	vm6 =	vgt.s32 v13, $0x4E20;
	v25 =	vld.idx.msk [tilespmem:v25+s19+$0x0], $0xffff  }
0xad: {  	v20 =	vshll.u32 v20, $0x10;
	v30 =	vnsel vm6, $0x4E20, v13;
	v13 =	vnsel vm7, $0xC34F, v13;
	v19 =	vld.idx.msk [tilespmem:v19+s1+$0x0], $0xffff;
	v31 =	vpop (erf)  }
0xae: {  	v30 =	vadd.s32 $0xFFFFB1E0, v30;
	v13 =	vadd.s32 $0xFFFFD8F0, v13;
	v31 =	vsel vm3, $0x3F800000, v31  }
0xaf: {  	v20 =	vsel vm5, v28, v20;
	v23 =	vsub.f32 v23, v15;
	v15 =	vsub.f32 v21, v15  }
0xb0: {  	v9 =	vadd.s32 v9, v29;
	v11 =	vsub.f32 v31, v11;
	(erf) = vrcp.f32 v22  }
0xb1: {  	v21 =	vmul.f32 v23, v10;
	v10 =	vmul.f32 v15, v10;
	v15 =	vsel vm2, $0x0, v27  }
0xb2: {  	v22 =	vsub.f32 v25, v20;
	v15 =	vsub.f32 v17, v15;
	v11 =	vmax.f32 v11, $9.999999960e-13;
	v14 =	vld.idx.msk [tilespmem:v14+s1+$0x0], $0xffff  }
0xb3: {  	v16 =	vsub.f32 v16, v20;
	v17 =	vmul.f32 $1.442695020e+00, v21;
	v11 =	vmin.f32 v11, $1.000000000e+00;
	v13 =	vld.idx.msk [tilespmem:v13+s19+$0x0], $0xffff  }
0xb4: {  	v21 =	vnsel vm9, $0x4E20, v24;
	v10 =	vmul.f32 $1.442695020e+00, v10;
	v15 =	vmax.f32 v15, $9.999999960e-13;
	v20 =	vld.idx.msk [tilespmem:v30+s19+$0x0], $0xffff  }
0xb5: {  	v23 =	vnsel vm8, $0xC34F, v24;
	v16 =	vmul.f32 v16, v19;
	v9 =	vld.idx.msk [tilespmem:v9+s23+$0x0], $0xffff;
	(erf) = vrcp.f32 v8  }
0xb6: {  	s14 =	sand.u32 $0x700, s8;
	v23 =	vadd.s32 $0xFFFFD8F0, v23;
	v8 =	vmin.f32 v15, $1.000000000e+00;
	(erf) = vpow2.f32 v17  }
0xb7: {  	s15 =	sand.u32 $0x80, s6;
	s14 =	sshrl.u32 s14, $0x1;
	v15 =	vadd.s32 $0xFFFFB1E0, v21;
	v17 =	vmul.f32 v22, v19;
	(erf) = vpow2.f32 v10  }
0xb8: {  	s15 =	sshrl.u32 s15, $0x1;
	s14 =	sadd.s32 $0x1A780, s14;
	v10 =	vmul.f32 $1.442695020e+00, v16;
	v16 =	vsel vm1, $0x0, v18;
	(erf) = vrcp.f32 v26  }
0xb9: {  	s15 =	sor.u32 s15, s14;
	v8 =	vpack.i.f32.bf16 v11, v8;
	v13 =	vsub.f32 v13, v12;
	v17 =	vmul.f32 $1.442695020e+00, v17;
	v11 =	vpop (erf)  }
0xba: {  	v12 =	vsub.f32 v20, v12;
	(erf) = vpow2.f32 v10;
	[tilespmem:s15+$0x0] =	vst v8;
	v8 =	vsel vm0, $0x3F800000, v11  }
0xbb: {  	v10 =	vmul.f32 v13, v14;
	v11 =	vand.u32 $0xFFFF0000, v9;
	v13 =	vld.idx.msk [tilespmem:v23+s19+$0x0], $0xffff  }
0xbc: {  	v9 =	vshll.u32 v9, $0x10;
	v12 =	vmul.f32 v12, v14;
	v14 =	vld.idx.msk [tilespmem:v15+s19+$0x0], $0xffff;
	(erf) = vpow2.f32 v17  }
0xbd: {  	v17 =	vmul.f32 $1.442695020e+00, v10;
	v15 =	vsel vm4, v11, v9  }
.Ltmp0:
0xbe: {  	vm2 =	veq.s32 v3, $0x5;
	vm1 =	veq.s32 v2, $0x1;
	v9 =	vmul.f32 $1.442695020e+00, v12;
	v7 =	vld.idx.msk [tilespmem:v7+s1+$0x0], $0xffff;
	v2 =	vpop (erf);
	(pc) =	sbr.rel @p1 .LBB2_3-.Ltmp0, $4  }
0xbf: {  	vm0 =	veq.s32 v5, $0x1;
	v3 =	vpop (erf);
	(erf) = vpow2.f32 v17;
	v12 =	vsel vm1, $0x3F800000, v2  }
0xc0: {  	v17 =	vadd.f32 $1.000000000e+00, v3;
	v10 =	vpop (erf);
	(erf) = vpow2.f32 v9;
	v9 =	vsub.f32 v12, v16  }
0xc1: {  	vm1 =	veq.s32 v6, $0x5;
	v11 =	vsub.f32 v13, v15;
	v10 =	vadd.f32 $1.000000000e+00, v10;
	v2 =	vpop (erf)  }
0xc2: {  	s10 =	sadd.s32 $0x40, s10;
	s13 =	sadd.s32 $0x40, s13;
	v3 =	vmovc v5;
	v13 =	vsub.f32 v14, v15;
	(erf) = vrcp.f32 v17;
	v12 =	vsel vm2, $0x0, v2;
	v2 =	vmovc v6  }
0xc3: {  	_ =	sdelay $0x2  }
0xc4: {  	v5 =	vpop (erf);
	v6 =	vmul.f32 v13, v7  }
0xc5: {  	v5 =	vadd.f32 $1.000000000e+00, v5;
	v13 =	vpop (erf)  }
0xc6: {  	v7 =	vmul.f32 v11, v7;
	v6 =	vmul.f32 $1.442695020e+00, v6;
	v11 =	vpop (erf)  }
0xc7: {  	(erf) = vrcp.f32 v5;
	v5 =	vadd.f32 $1.000000000e+00, v11  }
0xc8: {  	(erf) = vpow2.f32 v6;
	v6 =	vmul.f32 $1.442695020e+00, v7  }
0xc9: {  	(erf) = vrcp.f32 v5  }
0xca: {  	(erf) = vpow2.f32 v6;
	_ =	sdelay $0x3  }
0xcb: {  	v5 =	vpop (erf)  }
0xcc: {  	v6 =	vpop (erf);
	v5 =	vadd.f32 $1.000000000e+00, v5  }
0xcd: {  	v7 =	vpop (erf)  }
0xce: {  	v11 =	vpop (erf)  }
0xcf: {  	(erf) = vrcp.f32 v10;
	v11 =	vadd.f32 $1.000000000e+00, v11;
	v10 =	vpop (erf)  }
0xd0: {  	v13 =	vadd.f32 $1.000000000e+00, v13;
	(erf) = vrcp.f32 v5;
	v5 =	vpop (erf)  }
0xd1: {  	(erf) = vrcp.f32 v11;
	v5 =	vadd.f32 $1.000000000e+00, v5  }
0xd2: {  	(erf) = vrcp.f32 v13  }
0xd3: {  	(erf) = vrcp.f32 v5;
	_ =	sdelay $0x2  }
0xd4: {  	v5 =	vsub.f32 v8, v12;
	v8 =	vmax.f32 v9, $9.999999960e-13  }
0xd5: {  	vm5 =	veq.s32 v4, $0x1  }
0xd6: {  	vm2 =	veq.s32 v1, $0x1;
	vm4 =	veq.s32 v1, $0x5;
	v6 =	vsel vm5, $0x3F800000, v6;
	v1 =	vpop (erf)  }
0xd7: {  	vm3 =	veq.s32 v4, $0x5;
	v4 =	vmax.f32 v5, $9.999999960e-13;
	v5 =	vmin.f32 v8, $1.000000000e+00;
	v8 =	vpop (erf)  }
0xd8: {  	v7 =	vsel vm1, $0x0, v7;
	v9 =	vsel vm4, $0x0, v10;
	v1 =	vsel vm3, $0x0, v1;
	v10 =	vpop (erf)  }
0xd9: {  	vm1 =	veq.s32 v3, $0x5;
	v8 =	vsel vm2, $0x3F800000, v8;
	v1 =	vsub.f32 v6, v1;
	v6 =	vpop (erf)  }
0xda: {  	v4 =	vmin.f32 v4, $1.000000000e+00;
	vm2 =	veq.s32 v2, $0x1;
	v8 =	vsub.f32 v8, v9;
	v2 =	vpop (erf)  }
0xdb: {  	s6 =	sadd.s32 $0x80, s6;
	s8 =	sadd.s32 $0x40, s8;
	v3 =	vsel vm0, $0x3F800000, v10;
	v6 =	vsel vm2, $0x3F800000, v6;
	v2 =	vsel vm1, $0x0, v2  }
0xdc: {  	s7 =	sshrl.u32 s7, $0x1;
	s9 =	sadd.s32 $0x40, s6;
	s8 =	sand.u32 $0x700, s8;
	v1 =	vmax.f32 v1, $9.999999960e-13;
	v6 =	vsub.f32 v6, v7;
	v2 =	vsub.f32 v3, v2  }
0xdd: {  	s6 =	sand.u32 $0x80, s6;
	s7 =	sor.u32 s7, s14;
	s8 =	sshrl.u32 s8, $0x1;
	v8 =	vmax.f32 v8, $9.999999960e-13;
	v1 =	vmin.f32 v1, $1.000000000e+00;
	v3 =	vpack.i.f32.bf16 v5, v4  }
0xde: {  	s9 =	sand.u32 $0xC0, s9;
	s6 =	sshrl.u32 s6, $0x1;
	s8 =	sadd.s32 $0x1A780, s8;
	v4 =	vmin.f32 v8, $1.000000000e+00;
	v5 =	vmax.f32 v6, $9.999999960e-13;
	v2 =	vmax.f32 v2, $9.999999960e-13  }
0xdf: {  	s16 =	sor.u32 s11, s4;
	s15 =	sshrl.u32 s9, $0x1;
	s6 =	sor.u32 s6, s8;
	[tilespmem:s7+$0x0] =	vst v3;
	v1 =	vpack.i.f32.bf16 v4, v1;
	v3 =	vmin.f32 v5, $1.000000000e+00;
	v2 =	vmin.f32 v2, $1.000000000e+00  }
0xe0: {  	s7 =	sor.u32 s15, s8;
	s8 =	sadd.s32 $0x1000, s4;
	[tilespmem:s6+$0x0] =	vst v1;
	s6 =	sshrl.u32 s16, $0x4;
	v1 =	vpack.i.f32.bf16 v3, v2  }
0xe1: {  	s17 =	sadd.s32 s12, s6;
	[tilespmem:s7+$0x0] =	vst v1;
	s7 =	sand.u32 $0x7000, s8  }
0xe2: {  	[hbm4b:s17+s1] =	stream.linear.scatter [tilespmem:s30], [sflag:$0x3], $0x400, $0x38;
	[tilespmem:$0x1AF80] =	vst v63  }
0xe3: {  	s7 =	sor.u32 s11, s7  }
0xe4: {  	s7 =	sshrl.u32 s7, $0x3  }
0xe5: {  	s9 =	sadd.s32 s2, s7  }
0xe6: {  	[tilespmem:s24], [sflag:$0x1] =	stream.linear.gather [hbm4b:s9+s1], $0x800, $0x38;
	[tilespmem:$0x1AF80] =	vst v63  }
0xe7: {  	s7 =	sadd.s32 s3, s7  }
0xe8: {  	[tilespmem:s25], [sflag:$0x1] =	stream.linear.gather [hbm4b:s7+s1], $0x800, $0x38;
	[tilespmem:$0x1AF80] =	vst v63  }
0xe9: {  	_ =	swait.ge [sflag:s31], $0x800  }
0xea: {  	[sflag:s31] =	ssyncset.done $0x0  }
0xeb: {  	[sflag:s31] =	ssyncadd.s32 $0xFFFFF800  }
0xec: {  	_ =	swait.ge [sflag:s31], $0x800  }
0xed: {  	[sflag:s31] =	ssyncset.done $0x0  }
0xee: {  	s7 =	simm.s32 @!p0 $0x4;
	[sflag:s31] =	ssyncadd.s32 $0xFFFFF800  }
0xef: {  	_ =	swait.ge @!p0 [sflag:s7], $0x400  }
0xf0: {  	[sflag:s7] =	ssyncset.done @!p0 $0x0  }
0xf1: {  	s10 =	simm.s32 $0x18FA0;
	[sflag:s7] =	ssyncadd.s32 @!p0 $0xFFFFFC00  }
0xf2: {  	v2 =	vld [tilespmem:s10+$0xFFFFFFF0]  }
0xf3: {  	s13 =	simm.s32 $0x19FA0;
	v3 =	vld [tilespmem:s10+$0xFFFFFFE0]  }
0xf4: {  	v4 =	vld [tilespmem:s13+$0xFFFFFFE0]  }
0xf5: {  	v5 =	vld [tilespmem:s13+$0xFFFFFFF0];
	_ =	sdelay $0x1  }
0xf6: {  	v7 =	vld [tilespmem:s13+$0x10]  }
0xf7: {  	v6 =	vld [tilespmem:s10+$0x10]  }
0xf8: {  	v1 =	vand.u32 $0x7, v3  }
0xf9: {  	v8 =	vand.u32 $0x7, v2;
	vm2 =	vgt.s32 v4, $0xC34F;
	vm0 =	vgt.s32 v5, $0xC34F  }
0xfa: {  	v3 =	vshra.s32 v3, $0x3;
	v9 =	vmul.u32 $0x2710, v1;
	v10 =	vsel vm2, $0xFFFF3CB0, v0  }
0xfb: {  	vm1 =	vgt.s32 v7, $0xC34F;
	v11 =	vsel vm0, $0xFFFF3CB0, v0;
	v4 =	vadd.s32 v4, v10  }
0xfc: {  	v10 =	vadd.s32 v5, v11;
	v5 =	vand.u32 $0x7, v6;
	v9 =	vadd.s32 v3, v9  }
0xfd: {  	v14 =	vsel vm1, $0xFFFF3CB0, v0;
	v12 =	vmul.u32 $0x2710, v5;
	vm3 =	vgt.s32 v9, $0x4E20  }
0xfe: {  	v15 =	vshra.s32 v6, $0x3;
	v7 =	vadd.s32 v7, v14;
	v13 =	vnsel vm3, $0x4E20, v9  }
0xff: {  	v11 =	vld [tilespmem:s10+$0x0];
	vm3 =	vlt.s32 v9, $0xC34F;
	v12 =	vadd.s32 v15, v12;
	v13 =	vadd.s32 $0xFFFFB1E0, v13  }
0x100: {  	v14 =	vmul.u32 $0x2710, v8;
	v3 =	vld.idx.msk [tilespmem:v3+s1+$0x0], $0xffff;
	v6 =	vnsel vm3, $0xC34F, v9;
	vm3 =	vlt.s32 v12, $0xC34F  }
0x101: {  	v2 =	vshra.s32 v2, $0x3;
	v4 =	vld.idx.msk [tilespmem:v4+s23+$0x0], $0xffff;
	v16 =	vadd.s32 $0xFFFFD8F0, v6;
	v17 =	vnsel vm3, $0xC34F, v12  }
0x102: {  	v14 =	vadd.s32 v2, v14;
	vm9 =	vgt.s32 v12, $0x4E20;
	v10 =	vld.idx.msk [tilespmem:v10+s23+$0x0], $0xffff;
	v17 =	vadd.s32 $0xFFFFD8F0, v17  }
0x103: {  	vm10 =	vgt.s32 v14, $0x4E20;
	v12 =	vnsel vm9, $0x4E20, v12;
	v7 =	vld.idx.msk [tilespmem:v7+s23+$0x0], $0xffff  }
0x104: {  	v6 =	vand.u32 $0x7, v11;
	vm3 =	vlt.s32 v14, $0xC34F;
	v12 =	vadd.s32 $0xFFFFB1E0, v12;
	v13 =	vld.idx.msk [tilespmem:v13+s19+$0x0], $0xffff  }
0x105: {  	v9 =	vld [tilespmem:s13+$0x0];
	v18 =	vmul.u32 $0x2710, v6;
	v20 =	vnsel vm3, $0xC34F, v14;
	v14 =	vnsel vm10, $0x4E20, v14  }
0x106: {  	v11 =	vshra.s32 v11, $0x3;
	v38 =	vadd.s32 $0xFFFFD8F0, v20;
	v14 =	vadd.s32 $0xFFFFB1E0, v14;
	v16 =	vld.idx.msk [tilespmem:v16+s19+$0x0], $0xffff  }
0x107: {  	v18 =	vadd.s32 v11, v18;
	v19 =	vand.u32 $0xFFFF0000, v4;
	v4 =	vshll.u32 v4, $0x10;
	v17 =	vld.idx.msk [tilespmem:v17+s19+$0x0], $0xffff  }
0x108: {  	v15 =	vld.idx.msk [tilespmem:v15+s1+$0x0], $0xffff;
	vm3 =	vgt.s32 v18, $0x4E20;
	vm11 =	vlt.s32 v18, $0xC34F;
	v4 =	vsel vm2, v19, v4  }
0x109: {  	v39 =	vand.u32 $0xFFFF0000, v10;
	v21 =	vand.u32 $0xFFFF0000, v7;
	v12 =	vld.idx.msk [tilespmem:v12+s19+$0x0], $0xffff;
	v13 =	vsub.f32 v13, v4  }
0x10a: {  	v7 =	vshll.u32 v7, $0x10;
	v10 =	vshll.u32 v10, $0x10;
	vm2 =	vgt.s32 v9, $0xC34F  }
0x10b: {  	v7 =	vsel vm1, v21, v7;
	v4 =	vsub.f32 v16, v4;
	v13 =	vmul.f32 v13, v3  }
0x10c: {  	v10 =	vsel vm0, v39, v10;
	v40 =	vsel vm2, $0xFFFF3CB0, v0;
	v19 =	vld.idx.msk [tilespmem:v38+s19+$0x0], $0xffff;
	v17 =	vsub.f32 v17, v7  }
0x10d: {  	v2 =	vld.idx.msk [tilespmem:v2+s1+$0x0], $0xffff;
	v9 =	vadd.s32 v9, v40;
	v3 =	vmul.f32 v4, v3;
	v13 =	vmul.f32 $1.442695020e+00, v13  }
0x10e: {  	v7 =	vsub.f32 v12, v7;
	v4 =	vld.idx.msk [tilespmem:v14+s19+$0x0], $0xffff;
	v14 =	vnsel vm11, $0xC34F, v18;
	v12 =	vmul.f32 v17, v15  }
0x10f: {  	v3 =	vmul.f32 $1.442695020e+00, v3;
	(erf) = vpow2.f32 v13;
	v13 =	vnsel vm3, $0x4E20, v18  }
0x110: {  	s15 =	simm.s32 $0x19FE0;
	v7 =	vmul.f32 v7, v15;
	v12 =	vmul.f32 $1.442695020e+00, v12;
	v13 =	vadd.s32 $0xFFFFB1E0, v13  }
0x111: {  	v49 =	vld [tilespmem:s15+$0x0];
	v14 =	vadd.s32 $0xFFFFD8F0, v14;
	(erf) = vpow2.f32 v3;
	v3 =	vsub.f32 v19, v10  }
0x112: {  	v9 =	vld.idx.msk [tilespmem:v9+s23+$0x0], $0xffff;
	v7 =	vmul.f32 $1.442695020e+00, v7;
	(erf) = vpow2.f32 v12  }
0x113: {  	v4 =	vsub.f32 v4, v10;
	v3 =	vmul.f32 v3, v2  }
0x114: {  	(erf) = vpow2.f32 v7  }
0x115: {  	v2 =	vmul.f32 v4, v2;
	v3 =	vmul.f32 $1.442695020e+00, v3;
	v4 =	vld.idx.msk [tilespmem:v13+s19+$0x0], $0xffff  }
0x116: {  	vm4 =	vgt.s32 v49, $0xC34F;
	vm12 =	veq.s32 v8, $0x5;
	v7 =	vld.idx.msk [tilespmem:v14+s19+$0x0], $0xffff  }
0x117: {  	s14 =	simm.s32 $0x18FE0;
	v11 =	vld.idx.msk [tilespmem:v11+s1+$0x0], $0xffff;
	v2 =	vmul.f32 $1.442695020e+00, v2;
	(erf) = vpow2.f32 v3;
	v3 =	vshll.u32 v9, $0x10  }
0x118: {  	v43 =	vld [tilespmem:s14+$0x10];
	vm8 =	veq.s32 v1, $0x1;
	v28 =	vsel vm4, $0xFFFF3CB0, v0;
	v10 =	vand.u32 $0xFFFF0000, v9;
	v12 =	vpop (erf)  }
0x119: {  	(erf) = vpow2.f32 v2;
	v2 =	vsel vm2, v10, v3;
	v9 =	vadd.f32 $1.000000000e+00, v12  }
0x11a: {  	v54 =	vadd.s32 v49, v28;
	vm0 =	veq.s32 v6, $0x1;
	v3 =	vpop (erf);
	v12 =	vld [tilespmem:s15+$0xFFFFFFF0];
	v4 =	vsub.f32 v4, v2  }
0x11b: {  	vm1 =	veq.s32 v5, $0x5;
	v10 =	vpop (erf);
	v2 =	vsub.f32 v7, v2;
	(erf) = vrcp.f32 v9;
	v9 =	vld [tilespmem:s14+$0xFFFFFFF0]  }
0x11c: {  	vm3 =	veq.s32 v8, $0x1;
	v7 =	vadd.f32 $1.000000000e+00, v10;
	v10 =	vld [tilespmem:s15+$0xFFFFFFE0];
	v4 =	vmul.f32 v4, v11  }
0x11d: {  	v18 =	vshra.s32 v43, $0x3;
	vm2 =	veq.s32 v1, $0x5;
	v2 =	vmul.f32 v2, v11  }
0x11e: {  	v3 =	vadd.f32 $1.000000000e+00, v3;
	v8 =	vpop (erf);
	(erf) = vrcp.f32 v7;
	v7 =	vld [tilespmem:s15+$0x10];
	v4 =	vmul.f32 $1.442695020e+00, v4  }
0x11f: {  	v13 =	vld [tilespmem:s14+$0xFFFFFFE0];
	v8 =	vadd.f32 $1.000000000e+00, v8;
	vm6 =	vgt.s32 v12, $0xC34F;
	v2 =	vmul.f32 $1.442695020e+00, v2  }
0x120: {  	v11 =	vpop (erf);
	v41 =	vsel vm6, $0xFFFF3CB0, v0;
	v1 =	vand.u32 $0x7, v9;
	(erf) = vpow2.f32 v4  }
0x121: {  	v15 =	vld [tilespmem:s14+$0x0];
	v4 =	vadd.f32 $1.000000000e+00, v11;
	vm7 =	vgt.s32 v10, $0xC34F;
	v12 =	vadd.s32 v12, v41  }
0x122: {  	v9 =	vshra.s32 v9, $0x3;
	v14 =	vmul.u32 $0x2710, v1;
	v11 =	vpop (erf);
	v42 =	vsel vm7, $0xFFFF3CB0, v0  }
0x123: {  	v11 =	vadd.f32 $1.000000000e+00, v11;
	vm5 =	vgt.s32 v7, $0xC34F;
	v10 =	vadd.s32 v10, v42  }
0x124: {  	v46 =	vsel vm5, $0xFFFF3CB0, v0;
	v44 =	vpop (erf);
	(erf) = vrcp.f32 v4;
	v4 =	vand.u32 $0x7, v13  }
0x125: {  	v14 =	vadd.s32 v9, v14;
	v19 =	vadd.s32 v7, v46;
	v47 =	vmul.u32 $0x2710, v4  }
0x126: {  	v13 =	vshra.s32 v13, $0x3;
	v7 =	vshra.s32 v15, $0x3;
	(erf) = vpow2.f32 v2  }
0x127: {  	v2 =	vand.u32 $0x7, v43;
	(erf) = vrcp.f32 v3;
	v48 =	vadd.s32 v13, v47  }
0x128: {  	v12 =	vld.idx.msk [tilespmem:v12+s23+$0x0], $0xffff;
	v3 =	vand.u32 $0x7, v15;
	v15 =	vmul.u32 $0x2710, v2;
	vm13 =	vgt.s32 v48, $0x4E20  }
0x129: {  	v45 =	vsel vm8, $0x3F800000, v44;
	vm9 =	vlt.s32 v48, $0xC34F;
	v50 =	vnsel vm13, $0x4E20, v48  }
0x12a: {  	v15 =	vadd.s32 v18, v15;
	v17 =	vnsel vm9, $0xC34F, v48;
	v21 =	vadd.s32 $0xFFFFB1E0, v50  }
0x12b: {  	v22 =	vpop (erf);
	vm14 =	vgt.s32 v15, $0x4E20;
	vm15 =	vlt.s32 v15, $0xC34F;
	v17 =	vadd.s32 $0xFFFFD8F0, v17  }
0x12c: {  	v10 =	vld.idx.msk [tilespmem:v10+s23+$0x0], $0xffff;
	v23 =	vpop (erf);
	(erf) = vrcp.f32 v11;
	v11 =	vmul.u32 $0x2710, v3;
	v24 =	vnsel vm14, $0x4E20, v15  }
0x12d: {  	v15 =	vnsel vm15, $0xC34F, v15;
	v23 =	vadd.f32 $1.000000000e+00, v23;
	v27 =	vand.u32 $0xFFFF0000, v12  }
0x12e: {  	v19 =	vld.idx.msk [tilespmem:v19+s23+$0x0], $0xffff;
	v12 =	vshll.u32 v12, $0x10;
	vm14 =	vgt.s32 v14, $0x4E20;
	vm15 =	vlt.s32 v14, $0xC34F  }
0x12f: {  	v24 =	vadd.s32 $0xFFFFB1E0, v24;
	v15 =	vadd.s32 $0xFFFFD8F0, v15;
	v11 =	vadd.s32 v7, v11;
	v21 =	vld.idx.msk [tilespmem:v21+s19+$0x0], $0xffff  }
0x130: {  	v12 =	vsel vm6, v27, v12;
	v30 =	vnsel vm14, $0x4E20, v14;
	v14 =	vnsel vm15, $0xC34F, v14;
	v17 =	vld.idx.msk [tilespmem:v17+s19+$0x0], $0xffff  }
0x131: {  	vm13 =	vlt.s32 v11, $0xC34F;
	v29 =	vand.u32 $0xFFFF0000, v10;
	v10 =	vshll.u32 v10, $0x10  }
0x132: {  	v13 =	vld.idx.msk [tilespmem:v13+s1+$0x0], $0xffff;
	v30 =	vadd.s32 $0xFFFFB1E0, v30;
	v14 =	vadd.s32 $0xFFFFD8F0, v14;
	(erf) = vrcp.f32 v23  }
0x133: {  	v25 =	vpop (erf);
	v10 =	vsel vm7, v29, v10;
	(erf) = vrcp.f32 v8;
	v8 =	vnsel vm13, $0xC34F, v11  }
0x134: {  	v25 =	vsel vm12, $0x0, v25;
	vm12 =	vgt.s32 v11, $0x4E20;
	v52 =	vand.u32 $0xFFFF0000, v19;
	v15 =	vld.idx.msk [tilespmem:v15+s19+$0x0], $0xffff  }
0x135: {  	v26 =	vpop (erf);
	v19 =	vshll.u32 v19, $0x10;
	v24 =	vld.idx.msk [tilespmem:v24+s19+$0x0], $0xffff;
	v21 =	vsub.f32 v21, v10;
	v10 =	vsub.f32 v17, v10  }
0x136: {  	v18 =	vld.idx.msk [tilespmem:v18+s1+$0x0], $0xffff;
	v61 =	vadd.s32 $0xFFFFD8F0, v8;
	v26 =	vadd.f32 $1.000000000e+00, v26;
	v51 =	vpop (erf);
	v53 =	vsel vm5, v52, v19  }
0x137: {  	v31 =	vpop (erf);
	v21 =	vmul.f32 v21, v13;
	v10 =	vmul.f32 v10, v13;
	v13 =	vsel vm2, $0x0, v51  }
0x138: {  	v60 =	vnsel vm12, $0x4E20, v11;
	v14 =	vld.idx.msk [tilespmem:v14+s19+$0x0], $0xffff;
	v31 =	vsel vm3, $0x3F800000, v31;
	v13 =	vsub.f32 v45, v13  }
0x139: {  	v59 =	vld.idx.msk [tilespmem:v30+s19+$0x0], $0xffff;
	v55 =	vsub.f32 v31, v25;
	v15 =	vsub.f32 v15, v53;
	v58 =	vmul.f32 $1.442695020e+00, v21  }
0x13a: {  	v9 =	vld.idx.msk [tilespmem:v9+s1+$0x0], $0xffff;
	v56 =	vsub.f32 v24, v53;
	v10 =	vmul.f32 $1.442695020e+00, v10;
	v13 =	vmax.f32 v13, $9.999999960e-13  }
0x13b: {  	v11 =	vmul.f32 v15, v18;
	v15 =	vld.idx.msk [tilespmem:v54+s23+$0x0], $0xffff;
	(erf) = vpow2.f32 v58;
	v8 =	vmin.f32 v13, $1.000000000e+00  }
0x13c: {  	v13 =	vmul.f32 v56, v18;
	(erf) = vpow2.f32 v10;
	v10 =	vadd.s32 $0xFFFFB1E0, v60  }
0x13d: {  	v14 =	vsub.f32 v14, v12;
	v11 =	vmul.f32 $1.442695020e+00, v11;
	(erf) = vrcp.f32 v26  }
0x13e: {  	v57 =	vmax.f32 v55, $9.999999960e-13;
	v12 =	vsub.f32 v59, v12;
	v13 =	vmul.f32 $1.442695020e+00, v13  }
0x13f: {  	v16 =	vmin.f32 v57, $1.000000000e+00;
	(erf) = vpow2.f32 v11;
	v11 =	vmul.f32 v14, v9  }
0x140: {  	v63 =	vld.idx.msk [tilespmem:v61+s19+$0x0], $0xffff;
	v16 =	vpack.i.f32.bf16 v16, v8;
	v14 =	vand.u32 $0xFFFF0000, v15;
	v9 =	vmul.f32 v12, v9  }
0x141: {  	v8 =	vpop (erf);
	v12 =	vshll.u32 v15, $0x10;
	(erf) = vpow2.f32 v13;
	v15 =	vld.idx.msk [tilespmem:v10+s19+$0x0], $0xffff;
	v10 =	vmul.f32 $1.442695020e+00, v11  }
0x142: {  	s7 =	simm.s32 $0x0;
	v62 =	vsel vm1, $0x0, v22;
	vm1 =	veq.s32 v5, $0x1;
	vm2 =	veq.s32 v6, $0x5;
	v5 =	vpop (erf)  }
0x143: {  	s16 =	sand.u32 $0x700, s7;
	v8 =	vsel vm0, $0x3F800000, v8;
	v9 =	vmul.f32 $1.442695020e+00, v9;
	v5 =	vsel vm1, $0x3F800000, v5  }
0x144: {  	s17 =	sand.u32 $0x80, s7;
	s8 =	sshrl.u32 s16, $0x1;
	v7 =	vld.idx.msk [tilespmem:v7+s1+$0x0], $0xffff;
	v12 =	vsel vm4, v14, v12;
	vm0 =	veq.s32 v3, $0x1;
	v6 =	vpop (erf);
	(erf) = vpow2.f32 v10  }
0x145: {  	s9 =	sshrl.u32 s17, $0x1;
	s10 =	simm.s32 $0x2;
	s15 =	sadd.s32 $0x1AB80, s8;
	v11 =	vsub.f32 v63, v12;
	v6 =	vadd.f32 $1.000000000e+00, v6;
	v10 =	vpop (erf);
	(erf) = vpow2.f32 v9  }
0x146: {  	s13 =	simm.s32 $0x40;
	s14 =	simm.s32 $0x19020;
	s9 =	sor.u32 s9, s15;
	vm1 =	veq.s32 v2, $0x5;
	v9 =	vsub.f32 v5, v62;
	v10 =	vadd.f32 $1.000000000e+00, v10;
	v5 =	vpop (erf)  }
0x147: {  	s8 =	sand.u32 $0xC0, s13;
	s13 =	simm.s32 $0x1A020;
	[tilespmem:s9+$0x0] =	vst v16;
	s9 =	simm.s32 $0x0;
	v13 =	vsub.f32 v15, v12;
	(erf) = vrcp.f32 v6;
	v12 =	vsel vm2, $0x0, v5  }
.LBB2_5:
0x148: {  	s10 =	sadd.s32 $0x2, s10;
	v14 =	vld [tilespmem:s14+$0xFFFFFFF0];
	vm3 =	veq.s32 v1, $0x1;
	v5 =	vpop (erf);
	v6 =	vsub.f32 v8, v12;
	v8 =	vmax.f32 v9, $9.999999960e-13;
	s7 =	sadd.s32 $0x80, s7;
	s9 =	sadd.s32 $0x40, s9  }
0x149: {  	vm2 =	veq.s32 v4, $0x5;
	v12 =	vld [tilespmem:s13+$0xFFFFFFF0];
	p0 =	slt.u32 s10, $0x3E;
	v13 =	vmul.f32 v13, v7;
	v5 =	vadd.f32 $1.000000000e+00, v5;
	s16 =	sadd.s32 $0x40, s7  }
0x14a: {  	vm4 =	veq.s32 v1, $0x5;
	v16 =	vmin.f32 v8, $1.000000000e+00;
	v15 =	vld [tilespmem:s13+$0xFFFFFFE0];
	s16 =	sand.u32 $0xC0, s16;
	v1 =	vpop (erf);
	v6 =	vmax.f32 v6, $9.999999960e-13  }
0x14b: {  	s17 =	sshrl.u32 s8, $0x1;
	v9 =	vld [tilespmem:s13+$0x0];
	v13 =	vmul.f32 $1.442695020e+00, v13;
	(erf) = vrcp.f32 v5;
	v5 =	vmin.f32 v6, $1.000000000e+00;
	s8 =	smov.u32 s16  }
0x14c: {  	vm8 =	veq.s32 v4, $0x1;
	s15 =	sor.u32 s17, s15;
	v8 =	vadd.f32 $1.000000000e+00, v1;
	v6 =	vld [tilespmem:s13+$0x10];
	v4 =	vpack.i.f32.bf16 v16, v5  }
0x14d: {  	v7 =	vmul.f32 v11, v7;
	v5 =	vld [tilespmem:s14+$0xFFFFFFE0];
	v1 =	vand.u32 $0x7, v14;
	v11 =	vpop (erf);
	(erf) = vpow2.f32 v13;
	[tilespmem:s15+$0x0] =	vst v4  }
0x14e: {  	vm7 =	vgt.s32 v12, $0xC34F;
	v13 =	vmul.u32 $0x2710, v1;
	v16 =	vld [tilespmem:s14+$0x0];
	v4 =	vadd.f32 $1.000000000e+00, v11;
	v11 =	vpop (erf)  }
0x14f: {  	vm6 =	vgt.s32 v15, $0xC34F;
	v17 =	vsel vm7, $0xFFFF3CB0, v0;
	v11 =	vadd.f32 $1.000000000e+00, v11  }
0x150: {  	v7 =	vmul.f32 $1.442695020e+00, v7;
	v18 =	vsel vm6, $0xFFFF3CB0, v0;
	v19 =	vld [tilespmem:s14+$0x10];
	v20 =	vpop (erf);
	(erf) = vrcp.f32 v4  }
0x151: {  	v12 =	vadd.s32 v12, v17;
	vm5 =	vgt.s32 v6, $0xC34F;
	v17 =	vsel vm8, $0x3F800000, v20  }
0x152: {  	v4 =	vand.u32 $0x7, v5;
	v20 =	vsel vm5, $0xFFFF3CB0, v0;
	(erf) = vpow2.f32 v7  }
0x153: {  	v21 =	vmul.u32 $0x2710, v4;
	v20 =	vadd.s32 v6, v20;
	(erf) = vrcp.f32 v10  }
0x154: {  	v15 =	vadd.s32 v15, v18;
	v10 =	vshra.s32 v5, $0x3;
	v7 =	vshra.s32 v16, $0x3;
	v18 =	vpop (erf)  }
0x155: {  	v5 =	vand.u32 $0x7, v16;
	v21 =	vadd.s32 v10, v21;
	v6 =	vand.u32 $0x7, v19  }
0x156: {  	vm8 =	vgt.s32 v21, $0x4E20;
	vm9 =	vlt.s32 v21, $0xC34F;
	v16 =	vmul.u32 $0x2710, v6;
	v22 =	vpop (erf)  }
0x157: {  	v19 =	vshra.s32 v19, $0x3;
	v23 =	vnsel vm8, $0x4E20, v21;
	v21 =	vnsel vm9, $0xC34F, v21;
	v12 =	vld.idx.msk [tilespmem:v12+s23+$0x0], $0xffff  }
0x158: {  	v23 =	vadd.s32 $0xFFFFB1E0, v23;
	v21 =	vadd.s32 $0xFFFFD8F0, v21;
	v20 =	vld.idx.msk [tilespmem:v20+s23+$0x0], $0xffff;
	v16 =	vadd.s32 v19, v16  }
0x159: {  	vm8 =	vgt.s32 v16, $0x4E20;
	vm9 =	vlt.s32 v16, $0xC34F;
	(erf) = vrcp.f32 v11;
	v11 =	vpop (erf)  }
0x15a: {  	v24 =	vmul.u32 $0x2710, v5;
	v15 =	vld.idx.msk [tilespmem:v15+s23+$0x0], $0xffff;
	v25 =	vnsel vm8, $0x4E20, v16;
	v16 =	vnsel vm9, $0xC34F, v16  }
0x15b: {  	v11 =	vsel vm4, $0x0, v11;
	v25 =	vadd.s32 $0xFFFFB1E0, v25;
	v16 =	vadd.s32 $0xFFFFD8F0, v16;
	v26 =	vpop (erf)  }
0x15c: {  	v24 =	vadd.s32 v7, v24;
	v22 =	vadd.f32 $1.000000000e+00, v22;
	v26 =	vadd.f32 $1.000000000e+00, v26;
	v27 =	vpop (erf)  }
0x15d: {  	vm4 =	vgt.s32 v9, $0xC34F;
	vm9 =	vgt.s32 v24, $0x4E20;
	vm8 =	vlt.s32 v24, $0xC34F;
	v23 =	vld.idx.msk [tilespmem:v23+s19+$0x0], $0xffff  }
0x15e: {  	v29 =	vsel vm4, $0xFFFF3CB0, v0;
	v28 =	vand.u32 $0xFFFF0000, v12;
	v12 =	vshll.u32 v12, $0x10;
	v21 =	vld.idx.msk [tilespmem:v21+s19+$0x0], $0xffff  }
0x15f: {  	v14 =	vshra.s32 v14, $0x3;
	v12 =	vsel vm7, v28, v12;
	v28 =	vand.u32 $0xFFFF0000, v20;
	v10 =	vld.idx.msk [tilespmem:v10+s1+$0x0], $0xffff  }
0x160: {  	v13 =	vadd.s32 v14, v13;
	v30 =	vand.u32 $0xFFFF0000, v15;
	v15 =	vshll.u32 v15, $0x10;
	v16 =	vld.idx.msk [tilespmem:v16+s19+$0x0], $0xffff  }
0x161: {  	vm7 =	vlt.s32 v13, $0xC34F;
	v15 =	vsel vm6, v30, v15;
	vm6 =	vgt.s32 v13, $0x4E20;
	v25 =	vld.idx.msk [tilespmem:v25+s19+$0x0], $0xffff  }
0x162: {  	v20 =	vshll.u32 v20, $0x10;
	v30 =	vnsel vm6, $0x4E20, v13;
	v13 =	vnsel vm7, $0xC34F, v13;
	v19 =	vld.idx.msk [tilespmem:v19+s1+$0x0], $0xffff;
	v31 =	vpop (erf)  }
0x163: {  	v30 =	vadd.s32 $0xFFFFB1E0, v30;
	v13 =	vadd.s32 $0xFFFFD8F0, v13;
	v31 =	vsel vm3, $0x3F800000, v31  }
0x164: {  	v20 =	vsel vm5, v28, v20;
	v23 =	vsub.f32 v23, v15;
	v15 =	vsub.f32 v21, v15  }
0x165: {  	v9 =	vadd.s32 v9, v29;
	v11 =	vsub.f32 v31, v11;
	(erf) = vrcp.f32 v22  }
0x166: {  	v21 =	vmul.f32 v23, v10;
	v10 =	vmul.f32 v15, v10;
	v15 =	vsel vm2, $0x0, v27  }
0x167: {  	v22 =	vsub.f32 v25, v20;
	v15 =	vsub.f32 v17, v15;
	v11 =	vmax.f32 v11, $9.999999960e-13;
	v14 =	vld.idx.msk [tilespmem:v14+s1+$0x0], $0xffff  }
0x168: {  	v16 =	vsub.f32 v16, v20;
	v17 =	vmul.f32 $1.442695020e+00, v21;
	v11 =	vmin.f32 v11, $1.000000000e+00;
	v13 =	vld.idx.msk [tilespmem:v13+s19+$0x0], $0xffff  }
0x169: {  	v21 =	vnsel vm9, $0x4E20, v24;
	v10 =	vmul.f32 $1.442695020e+00, v10;
	v15 =	vmax.f32 v15, $9.999999960e-13;
	v20 =	vld.idx.msk [tilespmem:v30+s19+$0x0], $0xffff  }
0x16a: {  	v23 =	vnsel vm8, $0xC34F, v24;
	v16 =	vmul.f32 v16, v19;
	v9 =	vld.idx.msk [tilespmem:v9+s23+$0x0], $0xffff;
	(erf) = vrcp.f32 v8  }
0x16b: {  	s15 =	sand.u32 $0x700, s9;
	v23 =	vadd.s32 $0xFFFFD8F0, v23;
	v8 =	vmin.f32 v15, $1.000000000e+00;
	(erf) = vpow2.f32 v17  }
0x16c: {  	s16 =	sand.u32 $0x80, s7;
	s15 =	sshrl.u32 s15, $0x1;
	v15 =	vadd.s32 $0xFFFFB1E0, v21;
	v17 =	vmul.f32 v22, v19;
	(erf) = vpow2.f32 v10  }
0x16d: {  	s16 =	sshrl.u32 s16, $0x1;
	s15 =	sadd.s32 $0x1AB80, s15;
	v10 =	vmul.f32 $1.442695020e+00, v16;
	v16 =	vsel vm1, $0x0, v18;
	(erf) = vrcp.f32 v26  }
0x16e: {  	s16 =	sor.u32 s16, s15;
	v8 =	vpack.i.f32.bf16 v11, v8;
	v13 =	vsub.f32 v13, v12;
	v17 =	vmul.f32 $1.442695020e+00, v17;
	v11 =	vpop (erf)  }
0x16f: {  	v12 =	vsub.f32 v20, v12;
	(erf) = vpow2.f32 v10;
	[tilespmem:s16+$0x0] =	vst v8;
	v8 =	vsel vm0, $0x3F800000, v11  }
0x170: {  	v10 =	vmul.f32 v13, v14;
	v11 =	vand.u32 $0xFFFF0000, v9;
	v13 =	vld.idx.msk [tilespmem:v23+s19+$0x0], $0xffff  }
0x171: {  	v9 =	vshll.u32 v9, $0x10;
	v12 =	vmul.f32 v12, v14;
	v14 =	vld.idx.msk [tilespmem:v15+s19+$0x0], $0xffff;
	(erf) = vpow2.f32 v17  }
0x172: {  	v17 =	vmul.f32 $1.442695020e+00, v10;
	v15 =	vsel vm4, v11, v9  }
.Ltmp1:
0x173: {  	vm2 =	veq.s32 v3, $0x5;
	vm1 =	veq.s32 v2, $0x1;
	v9 =	vmul.f32 $1.442695020e+00, v12;
	v7 =	vld.idx.msk [tilespmem:v7+s1+$0x0], $0xffff;
	v2 =	vpop (erf);
	(pc) =	sbr.rel @p0 .LBB2_5-.Ltmp1, $4  }
0x174: {  	vm0 =	veq.s32 v5, $0x1;
	v3 =	vpop (erf);
	(erf) = vpow2.f32 v17;
	v12 =	vsel vm1, $0x3F800000, v2  }
0x175: {  	v17 =	vadd.f32 $1.000000000e+00, v3;
	v10 =	vpop (erf);
	(erf) = vpow2.f32 v9;
	v9 =	vsub.f32 v12, v16  }
0x176: {  	vm1 =	veq.s32 v6, $0x5;
	v11 =	vsub.f32 v13, v15;
	v10 =	vadd.f32 $1.000000000e+00, v10;
	v2 =	vpop (erf)  }
0x177: {  	s13 =	sadd.s32 $0x40, s13;
	s14 =	sadd.s32 $0x40, s14;
	v3 =	vmovc v5;
	v13 =	vsub.f32 v14, v15;
	(erf) = vrcp.f32 v17;
	v12 =	vsel vm2, $0x0, v2;
	v2 =	vmovc v6  }
0x178: {  	_ =	sdelay $0x2  }
0x179: {  	v5 =	vpop (erf);
	v6 =	vmul.f32 v13, v7  }
0x17a: {  	v5 =	vadd.f32 $1.000000000e+00, v5;
	v43 =	vpop (erf)  }
0x17b: {  	v44 =	vmul.f32 v11, v7;
	v6 =	vmul.f32 $1.442695020e+00, v6;
	v45 =	vpop (erf)  }
0x17c: {  	(erf) = vrcp.f32 v5;
	v46 =	vadd.f32 $1.000000000e+00, v45  }
0x17d: {  	v47 =	vmul.f32 $1.442695020e+00, v44;
	(erf) = vpow2.f32 v6  }
0x17e: {  	(erf) = vrcp.f32 v46  }
0x17f: {  	(erf) = vpow2.f32 v47;
	_ =	sdelay $0x3  }
0x180: {  	v48 =	vpop (erf)  }
0x181: {  	v49 =	vpop (erf)  }
0x182: {  	v50 =	vpop (erf)  }
0x183: {  	v5 =	vadd.f32 $1.000000000e+00, v48;
	v51 =	vpop (erf)  }
0x184: {  	(erf) = vrcp.f32 v10;
	v11 =	vadd.f32 $1.000000000e+00, v51;
	v52 =	vpop (erf)  }
0x185: {  	v13 =	vadd.f32 $1.000000000e+00, v43;
	(erf) = vrcp.f32 v5;
	v53 =	vpop (erf)  }
0x186: {  	(erf) = vrcp.f32 v11;
	v5 =	vadd.f32 $1.000000000e+00, v53  }
0x187: {  	(erf) = vrcp.f32 v13  }
0x188: {  	(erf) = vrcp.f32 v5;
	_ =	sdelay $0x3  }
0x189: {  	vm2 =	veq.s32 v1, $0x1;
	v54 =	vsub.f32 v8, v12;
	v55 =	vmax.f32 v9, $9.999999960e-13  }
0x18a: {  	vm3 =	veq.s32 v4, $0x5;
	vm4 =	veq.s32 v1, $0x5;
	vm5 =	veq.s32 v4, $0x1;
	v1 =	vpop (erf)  }
0x18b: {  	vm14 =	veq.s32 v3, $0x5;
	v6 =	vsel vm5, $0x3F800000, v49;
	v58 =	vpop (erf);
	v1 =	vsel vm3, $0x0, v1  }
0x18c: {  	vm15 =	veq.s32 v2, $0x1;
	v57 =	vmin.f32 v55, $1.000000000e+00;
	v1 =	vsub.f32 v6, v1;
	v60 =	vpop (erf)  }
0x18d: {  	v56 =	vmax.f32 v54, $9.999999960e-13;
	v59 =	vsel vm4, $0x0, v52;
	v8 =	vsel vm2, $0x3F800000, v58;
	v61 =	vpop (erf)  }
0x18e: {  	v7 =	vsel vm1, $0x0, v50;
	v8 =	vsub.f32 v8, v59;
	v1 =	vmax.f32 v1, $9.999999960e-13;
	v2 =	vpop (erf)  }
0x18f: {  	s7 =	sadd.s32 $0x80, s7;
	s9 =	sadd.s32 $0x40, s9;
	s8 =	sshrl.u32 s8, $0x1;
	v3 =	vsel vm0, $0x3F800000, v60;
	v6 =	vsel vm15, $0x3F800000, v61;
	v2 =	vsel vm14, $0x0, v2  }
0x190: {  	s6 =	sadd.s32 s6, s12;
	s10 =	sadd.s32 $0x40, s7;
	s9 =	sand.u32 $0x700, s9;
	v8 =	vmax.f32 v8, $9.999999960e-13;
	v6 =	vsub.f32 v6, v7;
	v2 =	vsub.f32 v3, v2  }
0x191: {  	s7 =	sand.u32 $0x80, s7;
	s8 =	sor.u32 s8, s15;
	s9 =	sshrl.u32 s9, $0x1;
	v4 =	vmin.f32 v56, $1.000000000e+00;
	v1 =	vmin.f32 v1, $1.000000000e+00;
	v62 =	vmin.f32 v8, $1.000000000e+00  }
0x192: {  	s10 =	sand.u32 $0xC0, s10;
	s7 =	sshrl.u32 s7, $0x1;
	s9 =	sadd.s32 $0x1AB80, s9;
	v63 =	vmax.f32 v6, $9.999999960e-13;
	v3 =	vpack.i.f32.bf16 v57, v4;
	v2 =	vmax.f32 v2, $9.999999960e-13  }
0x193: {  	s4 =	sadd.s32 $0x1800, s4;
	s15 =	sshrl.u32 s10, $0x1;
	s7 =	sor.u32 s7, s9;
	v1 =	vpack.i.f32.bf16 v62, v1;
	[tilespmem:s8+$0x0] =	vst v3;
	v3 =	vmin.f32 v63, $1.000000000e+00;
	v2 =	vmin.f32 v2, $1.000000000e+00  }
0x194: {  	s22 =	sadd.s32 $0x1, s22;
	s4 =	sand.u32 $0x7800, s4;
	s16 =	sor.u32 s15, s9;
	[tilespmem:s7+$0x0] =	vst v1;
	v1 =	vpack.i.f32.bf16 v3, v2  }
0x195: {  	s6 =	sadd.s32 $0x80, s6;
	p0 =	sne.s32 s22, $0x8;
	s4 =	sor.u32 s11, s4;
	[tilespmem:s16+$0x0] =	vst v1  }
0x196: {  	[hbm4b:s6+s1] =	stream.linear.scatter [tilespmem:s0], [sflag:$0x4], $0x400, $0x38;
	[tilespmem:$0x1AF80] =	vst v63  }
.Ltmp2:
0x197: {  	s4 =	sshrl.u32 s4, $0x3;
	(pc) =	sbr.rel @p0 .LBB2_2-.Ltmp2, $4  }
0x198: {  	s17 =	sadd.s32 s2, s4  }
0x199: {  	[tilespmem:s26], [sflag:$0x2] =	stream.linear.gather [hbm4b:s17+s1], $0x800, $0x38;
	[tilespmem:$0x1AF80] =	vst v63  }
0x19a: {  	s4 =	sadd.s32 s3, s4  }
0x19b: {  	[tilespmem:s28], [sflag:$0x2] =	stream.linear.gather [hbm4b:s4+s1], $0x800, $0x38;
	[tilespmem:$0x1AF80] =	vst v63  }
0x19c: {  	_ =	swait.ge [sflag:s5], $0x400  }
0x19d: {  	[sflag:s5] =	ssyncset.done $0x0  }
0x19e: {  	[sflag:s5] =	ssyncadd.s32 $0xFFFFFC00  }
0x19f: {  	_ =	swait.ge [sflag:s29], $0x800  }
0x1a0: {  	[sflag:s29] =	ssyncset.done $0x0  }
0x1a1: {  	[sflag:s29] =	ssyncadd.s32 $0xFFFFF800  }
0x1a2: {  	_ =	swait.ge [sflag:s29], $0x800  }
0x1a3: {  	[sflag:s29] =	ssyncset.done $0x0  }
0x1a4: {  	[sflag:s29] =	ssyncadd.s32 $0xFFFFF800  }
0x1a5: {  	_ =	swait.ge [sflag:s20], $0x400  }
0x1a6: {  	[sflag:s20] =	ssyncset.done $0x0  }
0x1a7: {  	[sflag:s20] =	ssyncadd.s32 $0xFFFFFC00  }
0x1a8: {  	_ =	swait.ge [sflag:s31], $0x800  }
0x1a9: {  	[sflag:s31] =	ssyncset.done $0x0  }
0x1aa: {  	[sflag:s31] =	ssyncadd.s32 $0xFFFFF800  }
0x1ab: {  	_ =	swait.ge [sflag:s31], $0x800  }
0x1ac: {  	s21 =	sadd.s32 $0x1, s21;
	s4 =	rddreg [dreg:$0xc]  }
0x1ad: {  	p0 =	sne.s32 s21, s4  }
.Ltmp3:
0x1ae: {  	_ = 	snop;
	(pc) =	sbr.rel @p0 .LBB2_1-.Ltmp3, $3  }
0x1af: {  	_ =	sdelay $0x1  }
0x1b0: {  	[sflag:s31] =	ssyncset.done $0x0  }
0x1b1: {  	[sflag:s31] =	ssyncadd.s32 $0xFFFFF800  }
0x1b2: {  	_ =	sfence.sel $0x180000  }
0x1b3: {  	[bflag:$0x0] =	sbarrier.arrive $0xFFFF  }
0x1b4: {  	_ =	strace $0x90000047  }
0x1b5: {  	s0 =	stileid.u32;
	[bflag:$0x2] =	sbarrier.arrive $0xFFFF  }
0x1b6: {  	p0 =	sne.s32 s0, $0x0;
	s0 =	rddreg [dreg:$0x1]  }
0x1b7: {  	s0 =	sadd.s32 @!p0 $0x100000, s0  }
0x1b8: {  	[sflag:s0] =	ssyncadd.tile.s32 @!p0 $0x1;
	_ =	shalt  }
.Lfunc_end2:
_tile_overlayer_lowered:
.L_overlay_start_2:
0x1b9: {  	(tag) =	ssettag $0x2  }
0x1ba: {  	s0 =	rddreg [dreg:$0x0];
	s2 =	stileid.u32  }
0x1bb: {  	s1 =	rddreg [dreg:$0x1];
	p0 =	sne.s32 s2, $0x0  }
0x1bc: {  	s3 =	rddreg [dreg:$0x2];
	[bflag:$0x3] =	sbarrier.arrive $0xFFFF;
	s2 =	simm.s32 @!p0 $0x1C05  }
0x1bd: {  	[timem:s3], [sflag:s2] =	dma.local @!p0 [hbm:s0], s1  }
0x1be: {  	s0 =	simm.s32 @!p0 $0x5  }
0x1bf: {  	_ =	swait.ge @!p0 [sflag:s0], s1  }
0x1c0: {  	s1 =	ssub.s32 @!p0 $0x0, s1;
	[sflag:s0] =	ssyncset.done @!p0 $0x0  }
0x1c1: {  	[sflag:s0] =	ssyncadd.s32 @!p0 s1  }
0x1c2: {  	[bflag:$0x3] =	sbarrier.arrive $0xFFFF  }
0x1c3: {  	_ =	shalt  }

</sc_bundles>
